<compile_context>
chip_gen: v7x
topology: tpu7x:2x2x1
jax: 0.10.2.dev20260603
libtpu: 0.0.44.dev20260713+nightly
codegen_flags: <defaults>
</compile_context>

<pallas_src>
import functools
import math

import jax
import jax.numpy as jnp
from jax import lax
from jax.experimental import pallas as pl
from jax.experimental.pallas import tpu as pltpu
from jax.experimental.pallas import tpu_sc as plsc

D_MODEL = 64
SCALE = math.sqrt(D_MODEL)
NUM_WORKERS = 32
X_ROWS = 4096
X_COLS = 200
XR_PER_WORKER = X_ROWS // NUM_WORKERS
NBUF = 4
LANES = 16


def _make_kernel():
    mesh = plsc.VectorSubcoreMesh(core_axis_name="c", subcore_axis_name="s")

    @functools.partial(
        pl.kernel,
        out_type=jax.ShapeDtypeStruct((X_ROWS, X_COLS, D_MODEL), jnp.float32),
        mesh=mesh,
        compiler_params=pltpu.CompilerParams(use_tc_tiling_on_sc=False),
        scratch_types=(
            [pltpu.VMEM((XR_PER_WORKER, X_COLS), jnp.int32)]
            + [pltpu.VMEM((X_COLS, D_MODEL), jnp.float32)] * NBUF
            + [pltpu.SemaphoreType.DMA] * (2 * NBUF)
        ),
    )
    def gather_scale(idx_hbm, table_hbm, out_hbm, idx_all, *bufs_and_sems):
        rows = list(bufs_and_sems[:NBUF])
        gsem = list(bufs_and_sems[NBUF:2 * NBUF])
        osem = list(bufs_and_sems[2 * NBUF:])
        wid = lax.axis_index("s") * 2 + lax.axis_index("c")
        base = wid * XR_PER_WORKER

        pltpu.sync_copy(idx_hbm.at[pl.ds(base, XR_PER_WORKER)], idx_all)

        def gather_desc(c, b):
            src = table_hbm.at[idx_all.at[c]]
            return pltpu.make_async_copy(src, rows[b], gsem[b])

        def out_desc(c, b):
            return pltpu.make_async_copy(rows[b], out_hbm.at[base + c], osem[b])

        for c0 in range(NBUF - 1):
            gather_desc(c0, c0).start()

        def ring_body(p, carry):
            for b in range(NBUF):
                c = p * NBUF + b
                bprev = (b - 1) % NBUF
                gather_desc(c, b).wait()

                @pl.when(c >= 1)
                def _wait_prev_out():
                    out_desc(c - 1, bprev).wait()

                @pl.when(c + NBUF - 1 < XR_PER_WORKER)
                def _start_next_gather():
                    gather_desc(c + NBUF - 1, bprev).start()

                def scale_body(t, carry2):
                    for j in range(D_MODEL // LANES):
                        sl = pl.ds(j * LANES, LANES)
                        rows[b][t, sl] = rows[b][t, sl] * SCALE
                    return carry2

                lax.fori_loop(0, X_COLS, scale_body, 0, unroll=4)
                out_desc(c, b).start()
            return carry

        lax.fori_loop(0, XR_PER_WORKER // NBUF, ring_body, 0)
        out_desc(XR_PER_WORKER - 1, (XR_PER_WORKER - 1) % NBUF).wait()

    return gather_scale


_gather_scale = _make_kernel()


def kernel(x, embed):
    return _gather_scale(x, embed)

# --- scband reference (transcript-rebuilt; emitter-appended) ---
"""Pipeline reference for scband-embedding-54546084659887 (READ-ONLY COPY).

The authoritative reference and input builder live on the scoring server;
editing this copy changes nothing except your own understanding.
"""

import jax, jax.numpy as jnp
import numpy as np
import math

VOCAB_SIZE = 1000000
D_MODEL = 64

def setup_inputs(seed: int = 0) -> dict:
    key = jax.random.key(seed)
    k1, k2 = jax.random.split(key)
    x = jax.random.randint(k1, (4096, 200), 0, VOCAB_SIZE, dtype=jnp.int64 if jax.config.jax_enable_x64 else jnp.int32)
    embed = jax.random.normal(k2, (VOCAB_SIZE, D_MODEL), dtype=jnp.float32)
    return {"x": x, "embed": embed}

def reference(x, embed):
    # gather rows from embedding table, scale by sqrt(d_model)
    out = jnp.take(embed, x, axis=0) * math.sqrt(D_MODEL)
    return out

if __name__ == "__main__":
    import jax
    _d = setup_inputs()
    print(jax.jit(kernel)(*tuple(_d.values())))

</pallas_src>

<mosaic_0001>
#map = affine_map<(d0, d1) -> (0, 0)>
#map1 = affine_map<(d0, d1) -> (0, 0, 0)>
module attributes {stable_mosaic.version = 14 : i64} {
  func.func @gather_scale(%arg0: i32, %arg1: i32, %arg2: memref<4096x200xi32, #tpu.memory_space<hbm>>, %arg3: memref<1000000x64xf32, #tpu.memory_space<hbm>>, %arg4: memref<4096x200x64xf32, #tpu.memory_space<hbm>>, %arg5: memref<128x200xi32, #tpu.memory_space<vmem>>, %arg6: memref<200x64xf32, #tpu.memory_space<vmem>>, %arg7: memref<200x64xf32, #tpu.memory_space<vmem>>, %arg8: memref<200x64xf32, #tpu.memory_space<vmem>>, %arg9: memref<200x64xf32, #tpu.memory_space<vmem>>, %arg10: memref<!tpu.dma_semaphore, #tpu.memory_space<semaphore_mem>>, %arg11: memref<!tpu.dma_semaphore, #tpu.memory_space<semaphore_mem>>, %arg12: memref<!tpu.dma_semaphore, #tpu.memory_space<semaphore_mem>>, %arg13: memref<!tpu.dma_semaphore, #tpu.memory_space<semaphore_mem>>, %arg14: memref<!tpu.dma_semaphore, #tpu.memory_space<semaphore_mem>>, %arg15: memref<!tpu.dma_semaphore, #tpu.memory_space<semaphore_mem>>, %arg16: memref<!tpu.dma_semaphore, #tpu.memory_space<semaphore_mem>>, %arg17: memref<!tpu.dma_semaphore, #tpu.memory_space<semaphore_mem>>) attributes {dimension_semantics = [#tpu.dimension_semantics<core_parallel>, #tpu.dimension_semantics<subcore_parallel>], iteration_bounds = array<i64: 2, 16>, scalar_prefetch = 0 : i64, scratch_operands = 13 : i64, tpu.core_type = #tpu.core_type<sc_vector_subcore>, window_params = [{transform_indices = #map}, {transform_indices = #map}, {transform_indices = #map1}]} {
    %mul3A = arith.constant 2 : i32
    %mul3A_0 = arith.muli %arg1, %mul3A : i32
    %add3A = arith.addi %mul3A_0, %arg0 : i32
    %mul3A_1 = arith.constant 128 : i32
    %mul3A_2 = arith.muli %add3A, %mul3A_1 : i32
    "tpu.region"() ({
      %run_scoped3A = tpu.sem_alloc : memref<!tpu.dma_semaphore, #tpu.memory_space<semaphore_mem>>
      %dma_start3A_37 = arith.constant 0 : i32
      %dma_start3A_38 = tpu.memref_slice %arg2[%mul3A_2, %dma_start3A_37] : memref<4096x200xi32, #tpu.memory_space<hbm>> -> memref<128x200xi32, #tpu.memory_space<hbm>>
      %dma_start3A_39 = arith.constant 0 : i32
      %dma_start3A_40 = tpu.memref_slice %arg2[%mul3A_2, %dma_start3A_39] : memref<4096x200xi32, #tpu.memory_space<hbm>> -> memref<128x200xi32, #tpu.memory_space<hbm>>
      tpu.enqueue_dma source(%dma_start3A_40 : memref<128x200xi32, #tpu.memory_space<hbm>>) target(%arg5 : memref<128x200xi32, #tpu.memory_space<vmem>>) target_semaphore(%run_scoped3A : memref<!tpu.dma_semaphore, #tpu.memory_space<semaphore_mem>>)
      %dma_wait3A_41 = arith.constant 0 : i32
      %dma_wait3A_42 = tpu.memref_slice %arg2[%mul3A_2, %dma_wait3A_41] : memref<4096x200xi32, #tpu.memory_space<hbm>> -> memref<128x200xi32, #tpu.memory_space<hbm>>
      %dma_wait3A_43 = arith.constant 0 : i32
      %dma_wait3A_44 = tpu.memref_slice %arg2[%mul3A_2, %dma_wait3A_43] : memref<4096x200xi32, #tpu.memory_space<hbm>> -> memref<128x200xi32, #tpu.memory_space<hbm>>
      tpu.wait_dma2 semaphore(%run_scoped3A : memref<!tpu.dma_semaphore, #tpu.memory_space<semaphore_mem>>) src(%dma_wait3A_44 : memref<128x200xi32, #tpu.memory_space<hbm>>) dst(%arg5 : memref<128x200xi32, #tpu.memory_space<vmem>>)
      tpu.yield
    }) : () -> ()
    %dma_start3A = arith.constant 0 : i32
    %dma_start3A_3 = arith.constant 0 : i32
    %dma_start3A_4 = tpu.memref_slice %arg5[%dma_start3A, %dma_start3A_3] : memref<128x200xi32, #tpu.memory_space<vmem>> -> memref<1x200xi32, #tpu.memory_space<vmem>>
    %dma_start3A_5 = tpu.memref_squeeze %dma_start3A_4 : memref<1x200xi32, #tpu.memory_space<vmem>> -> memref<200xi32, #tpu.memory_space<vmem>>
    %dma_start3A_6 = arith.constant 0 : i32
    %dma_start3A_7 = arith.constant 0 : i32
    %dma_start3A_8 = tpu.memref_slice %arg3[%dma_start3A_6, %dma_start3A_7] : memref<1000000x64xf32, #tpu.memory_space<hbm>> -> memref<1000000x64xf32, #tpu.memory_space<hbm>>
    tpu.enqueue_indirect_dma source(%dma_start3A_8 : memref<1000000x64xf32, #tpu.memory_space<hbm>>) target(%arg6 : memref<200x64xf32, #tpu.memory_space<vmem>>) offsets(%dma_start3A_5 : memref<200xi32, #tpu.memory_space<vmem>>) semaphore(%arg10 : memref<!tpu.dma_semaphore, #tpu.memory_space<semaphore_mem>>)
    %dma_start3A_9 = arith.constant 1 : i32
    %dma_start3A_10 = arith.constant 0 : i32
    %dma_start3A_11 = tpu.memref_slice %arg5[%dma_start3A_9, %dma_start3A_10] : memref<128x200xi32, #tpu.memory_space<vmem>> -> memref<1x200xi32, #tpu.memory_space<vmem>>
    %dma_start3A_12 = tpu.memref_squeeze %dma_start3A_11 : memref<1x200xi32, #tpu.memory_space<vmem>> -> memref<200xi32, #tpu.memory_space<vmem>>
    %dma_start3A_13 = arith.constant 0 : i32
    %dma_start3A_14 = arith.constant 0 : i32
    %dma_start3A_15 = tpu.memref_slice %arg3[%dma_start3A_13, %dma_start3A_14] : memref<1000000x64xf32, #tpu.memory_space<hbm>> -> memref<1000000x64xf32, #tpu.memory_space<hbm>>
    tpu.enqueue_indirect_dma source(%dma_start3A_15 : memref<1000000x64xf32, #tpu.memory_space<hbm>>) target(%arg7 : memref<200x64xf32, #tpu.memory_space<vmem>>) offsets(%dma_start3A_12 : memref<200xi32, #tpu.memory_space<vmem>>) semaphore(%arg11 : memref<!tpu.dma_semaphore, #tpu.memory_space<semaphore_mem>>)
    %dma_start3A_16 = arith.constant 2 : i32
    %dma_start3A_17 = arith.constant 0 : i32
    %dma_start3A_18 = tpu.memref_slice %arg5[%dma_start3A_16, %dma_start3A_17] : memref<128x200xi32, #tpu.memory_space<vmem>> -> memref<1x200xi32, #tpu.memory_space<vmem>>
    %dma_start3A_19 = tpu.memref_squeeze %dma_start3A_18 : memref<1x200xi32, #tpu.memory_space<vmem>> -> memref<200xi32, #tpu.memory_space<vmem>>
    %dma_start3A_20 = arith.constant 0 : i32
    %dma_start3A_21 = arith.constant 0 : i32
    %dma_start3A_22 = tpu.memref_slice %arg3[%dma_start3A_20, %dma_start3A_21] : memref<1000000x64xf32, #tpu.memory_space<hbm>> -> memref<1000000x64xf32, #tpu.memory_space<hbm>>
    tpu.enqueue_indirect_dma source(%dma_start3A_22 : memref<1000000x64xf32, #tpu.memory_space<hbm>>) target(%arg8 : memref<200x64xf32, #tpu.memory_space<vmem>>) offsets(%dma_start3A_19 : memref<200xi32, #tpu.memory_space<vmem>>) semaphore(%arg12 : memref<!tpu.dma_semaphore, #tpu.memory_space<semaphore_mem>>)
    %scan3A = arith.constant 0 : i32
    %scan3A_23 = arith.constant 0 : i32
    %scan3A_24 = arith.constant 32 : i32
    %scan3A_25 = arith.addi %scan3A_23, %scan3A_24 : i32
    %scan3A_26 = arith.constant 1 : i32
    scf.for %scan3A_37 = %scan3A_23 to %scan3A_25 step %scan3A_26  : i32 {
      %mul3A_38 = arith.constant 4 : i32
      %mul3A_39 = arith.muli %scan3A_37, %mul3A_38 : i32
      %add3A_40 = arith.constant 0 : i32
      %add3A_41 = arith.addi %mul3A_39, %add3A_40 : i32
      %dma_wait3A_42 = arith.constant 0 : i32
      %dma_wait3A_43 = tpu.memref_slice %arg5[%add3A_41, %dma_wait3A_42] : memref<128x200xi32, #tpu.memory_space<vmem>> -> memref<1x200xi32, #tpu.memory_space<vmem>>
      %dma_wait3A_44 = tpu.memref_squeeze %dma_wait3A_43 : memref<1x200xi32, #tpu.memory_space<vmem>> -> memref<200xi32, #tpu.memory_space<vmem>>
      %dma_wait3A_45 = arith.constant 0 : i32
      %dma_wait3A_46 = arith.constant 0 : i32
      %dma_wait3A_47 = tpu.memref_slice %arg3[%dma_wait3A_45, %dma_wait3A_46] : memref<1000000x64xf32, #tpu.memory_space<hbm>> -> memref<1000000x64xf32, #tpu.memory_space<hbm>>
      tpu.wait_indirect_dma semaphore(%arg10 : memref<!tpu.dma_semaphore, #tpu.memory_space<semaphore_mem>>) src(%dma_wait3A_47 : memref<1000000x64xf32, #tpu.memory_space<hbm>>) dst(%arg6 : memref<200x64xf32, #tpu.memory_space<vmem>>)
      %ge3A = arith.constant 1 : i32
      %ge3A_48 = arith.cmpi sge, %add3A_41, %ge3A : i32
      %convert_element_type3A = arith.extui %ge3A_48 : i1 to i32
      %cond3A = arith.constant 0 : i32
      %cond3A_49 = arith.cmpi ne, %convert_element_type3A, %cond3A : i32
      scf.if %cond3A_49 {
        %sub3A_189 = arith.constant 1 : i32
        %sub3A_190 = arith.subi %add3A_41, %sub3A_189 : i32
        %add3A_191 = arith.addi %mul3A_2, %sub3A_190 : i32
        %dma_wait3A_192 = arith.constant 0 : i32
        %dma_wait3A_193 = arith.constant 0 : i32
        %dma_wait3A_194 = tpu.memref_slice %arg4[%add3A_191, %dma_wait3A_192, %dma_wait3A_193] : memref<4096x200x64xf32, #tpu.memory_space<hbm>> -> memref<1x200x64xf32, #tpu.memory_space<hbm>>
        %dma_wait3A_195 = tpu.memref_squeeze %dma_wait3A_194 : memref<1x200x64xf32, #tpu.memory_space<hbm>> -> memref<200x64xf32, #tpu.memory_space<hbm>>
        %dma_wait3A_196 = arith.constant 0 : i32
        %dma_wait3A_197 = arith.constant 0 : i32
        %dma_wait3A_198 = tpu.memref_slice %arg4[%add3A_191, %dma_wait3A_196, %dma_wait3A_197] : memref<4096x200x64xf32, #tpu.memory_space<hbm>> -> memref<1x200x64xf32, #tpu.memory_space<hbm>>
        %dma_wait3A_199 = tpu.memref_squeeze %dma_wait3A_198 : memref<1x200x64xf32, #tpu.memory_space<hbm>> -> memref<200x64xf32, #tpu.memory_space<hbm>>
        tpu.wait_dma2 semaphore(%arg17 : memref<!tpu.dma_semaphore, #tpu.memory_space<semaphore_mem>>) src(%arg9 : memref<200x64xf32, #tpu.memory_space<vmem>>) dst(%dma_wait3A_199 : memref<200x64xf32, #tpu.memory_space<hbm>>)
      } else {
      }
      %add3A_50 = arith.constant 4 : i32
      %add3A_51 = arith.addi %add3A_41, %add3A_50 : i32
      %sub3A = arith.constant 1 : i32
      %sub3A_52 = arith.subi %add3A_51, %sub3A : i32
      %lt3A = arith.constant 128 : i32
      %lt3A_53 = arith.cmpi slt, %sub3A_52, %lt3A : i32
      %convert_element_type3A_54 = arith.extui %lt3A_53 : i1 to i32
      %cond3A_55 = arith.constant 0 : i32
      %cond3A_56 = arith.cmpi ne, %convert_element_type3A_54, %cond3A_55 : i32
      scf.if %cond3A_56 {
        %add3A_189 = arith.constant 4 : i32
        %add3A_190 = arith.addi %add3A_41, %add3A_189 : i32
        %sub3A_191 = arith.constant 1 : i32
        %sub3A_192 = arith.subi %add3A_190, %sub3A_191 : i32
        %dma_start3A_193 = arith.constant 0 : i32
        %dma_start3A_194 = tpu.memref_slice %arg5[%sub3A_192, %dma_start3A_193] : memref<128x200xi32, #tpu.memory_space<vmem>> -> memref<1x200xi32, #tpu.memory_space<vmem>>
        %dma_start3A_195 = tpu.memref_squeeze %dma_start3A_194 : memref<1x200xi32, #tpu.memory_space<vmem>> -> memref<200xi32, #tpu.memory_space<vmem>>
        %dma_start3A_196 = arith.constant 0 : i32
        %dma_start3A_197 = arith.constant 0 : i32
        %dma_start3A_198 = tpu.memref_slice %arg3[%dma_start3A_196, %dma_start3A_197] : memref<1000000x64xf32, #tpu.memory_space<hbm>> -> memref<1000000x64xf32, #tpu.memory_space<hbm>>
        tpu.enqueue_indirect_dma source(%dma_start3A_198 : memref<1000000x64xf32, #tpu.memory_space<hbm>>) target(%arg9 : memref<200x64xf32, #tpu.memory_space<vmem>>) offsets(%dma_start3A_195 : memref<200xi32, #tpu.memory_space<vmem>>) semaphore(%arg13 : memref<!tpu.dma_semaphore, #tpu.memory_space<semaphore_mem>>)
      } else {
      }
      %scan3A_57 = arith.constant 0 : i32
      %scan3A_58 = arith.constant 0 : i32
      %scan3A_59 = arith.constant 200 : i32
      %scan3A_60 = arith.addi %scan3A_58, %scan3A_59 : i32
      %scan3A_61 = arith.constant 4 : i32
      scf.for %scan3A_189 = %scan3A_58 to %scan3A_60 step %scan3A_61  : i32 {
        %get3A = arith.index_cast %scan3A_189 : i32 to index
        %get3A_190 = arith.constant 0 : index
        %get3A_191 = tpu.vector_load %arg6[%get3A, %get3A_190] {strides = array<i32>} : memref<200x64xf32, #tpu.memory_space<vmem>>, vector<1x16xf32>,
        %get3A_192 = vector.shape_cast %get3A_191 : vector<1x16xf32> to vector<16xf32>
        %mul3A_193 = arith.constant 8.000000e+00 : f32
        %mul3A_194 = vector.broadcast %mul3A_193 : f32 to vector<16xf32>
        %mul3A_195 = arith.mulf %get3A_192, %mul3A_194 : vector<16xf32>
        %swap3A = arith.index_cast %scan3A_189 : i32 to index
        %swap3A_196 = arith.constant 0 : index
        %swap3A_197 = tpu.vector_load %arg6[%swap3A, %swap3A_196] {strides = array<i32>} : memref<200x64xf32, #tpu.memory_space<vmem>>, vector<1x16xf32>,
        %swap3A_198 = vector.shape_cast %swap3A_197 : vector<1x16xf32> to vector<16xf32>
        %swap3A_199 = vector.shape_cast %mul3A_195 : vector<16xf32> to vector<1x16xf32>
        tpu.vector_store %arg6[%swap3A, %swap3A_196], %swap3A_199 {strides = array<i32>} : memref<200x64xf32, #tpu.memory_space<vmem>>, vector<1x16xf32>,
        %get3A_200 = arith.index_cast %scan3A_189 : i32 to index
        %get3A_201 = arith.constant 16 : index
        %get3A_202 = tpu.vector_load %arg6[%get3A_200, %get3A_201] {strides = array<i32>} : memref<200x64xf32, #tpu.memory_space<vmem>>, vector<1x16xf32>,
        %get3A_203 = vector.shape_cast %get3A_202 : vector<1x16xf32> to vector<16xf32>
        %mul3A_204 = arith.constant 8.000000e+00 : f32
        %mul3A_205 = vector.broadcast %mul3A_204 : f32 to vector<16xf32>
        %mul3A_206 = arith.mulf %get3A_203, %mul3A_205 : vector<16xf32>
        %swap3A_207 = arith.index_cast %scan3A_189 : i32 to index
        %swap3A_208 = arith.constant 16 : index
        %swap3A_209 = tpu.vector_load %arg6[%swap3A_207, %swap3A_208] {strides = array<i32>} : memref<200x64xf32, #tpu.memory_space<vmem>>, vector<1x16xf32>,
        %swap3A_210 = vector.shape_cast %swap3A_209 : vector<1x16xf32> to vector<16xf32>
        %swap3A_211 = vector.shape_cast %mul3A_206 : vector<16xf32> to vector<1x16xf32>
        tpu.vector_store %arg6[%swap3A_207, %swap3A_208], %swap3A_211 {strides = array<i32>} : memref<200x64xf32, #tpu.memory_space<vmem>>, vector<1x16xf32>,
        %get3A_212 = arith.index_cast %scan3A_189 : i32 to index
        %get3A_213 = arith.constant 32 : index
        %get3A_214 = tpu.vector_load %arg6[%get3A_212, %get3A_213] {strides = array<i32>} : memref<200x64xf32, #tpu.memory_space<vmem>>, vector<1x16xf32>,
        %get3A_215 = vector.shape_cast %get3A_214 : vector<1x16xf32> to vector<16xf32>
        %mul3A_216 = arith.constant 8.000000e+00 : f32
        %mul3A_217 = vector.broadcast %mul3A_216 : f32 to vector<16xf32>
        %mul3A_218 = arith.mulf %get3A_215, %mul3A_217 : vector<16xf32>
        %swap3A_219 = arith.index_cast %scan3A_189 : i32 to index
        %swap3A_220 = arith.constant 32 : index
        %swap3A_221 = tpu.vector_load %arg6[%swap3A_219, %swap3A_220] {strides = array<i32>} : memref<200x64xf32, #tpu.memory_space<vmem>>, vector<1x16xf32>,
        %swap3A_222 = vector.shape_cast %swap3A_221 : vector<1x16xf32> to vector<16xf32>
        %swap3A_223 = vector.shape_cast %mul3A_218 : vector<16xf32> to vector<1x16xf32>
        tpu.vector_store %arg6[%swap3A_219, %swap3A_220], %swap3A_223 {strides = array<i32>} : memref<200x64xf32, #tpu.memory_space<vmem>>, vector<1x16xf32>,
        %get3A_224 = arith.index_cast %scan3A_189 : i32 to index
        %get3A_225 = arith.constant 48 : index
        %get3A_226 = tpu.vector_load %arg6[%get3A_224, %get3A_225] {strides = array<i32>} : memref<200x64xf32, #tpu.memory_space<vmem>>, vector<1x16xf32>,
        %get3A_227 = vector.shape_cast %get3A_226 : vector<1x16xf32> to vector<16xf32>
        %mul3A_228 = arith.constant 8.000000e+00 : f32
        %mul3A_229 = vector.broadcast %mul3A_228 : f32 to vector<16xf32>
        %mul3A_230 = arith.mulf %get3A_227, %mul3A_229 : vector<16xf32>
        %swap3A_231 = arith.index_cast %scan3A_189 : i32 to index
        %swap3A_232 = arith.constant 48 : index
        %swap3A_233 = tpu.vector_load %arg6[%swap3A_231, %swap3A_232] {strides = array<i32>} : memref<200x64xf32, #tpu.memory_space<vmem>>, vector<1x16xf32>,
        %swap3A_234 = vector.shape_cast %swap3A_233 : vector<1x16xf32> to vector<16xf32>
        %swap3A_235 = vector.shape_cast %mul3A_230 : vector<16xf32> to vector<1x16xf32>
        tpu.vector_store %arg6[%swap3A_231, %swap3A_232], %swap3A_235 {strides = array<i32>} : memref<200x64xf32, #tpu.memory_space<vmem>>, vector<1x16xf32>,
        %scan3A_236 = arith.constant 1 : i32
        %scan3A_237 = arith.addi %scan3A_189, %scan3A_236 : i32
        %get3A_238 = arith.index_cast %scan3A_237 : i32 to index
        %get3A_239 = arith.constant 0 : index
        %get3A_240 = tpu.vector_load %arg6[%get3A_238, %get3A_239] {strides = array<i32>} : memref<200x64xf32, #tpu.memory_space<vmem>>, vector<1x16xf32>,
        %get3A_241 = vector.shape_cast %get3A_240 : vector<1x16xf32> to vector<16xf32>
        %mul3A_242 = arith.constant 8.000000e+00 : f32
        %mul3A_243 = vector.broadcast %mul3A_242 : f32 to vector<16xf32>
        %mul3A_244 = arith.mulf %get3A_241, %mul3A_243 : vector<16xf32>
        %swap3A_245 = arith.index_cast %scan3A_237 : i32 to index
        %swap3A_246 = arith.constant 0 : index
        %swap3A_247 = tpu.vector_load %arg6[%swap3A_245, %swap3A_246] {strides = array<i32>} : memref<200x64xf32, #tpu.memory_space<vmem>>, vector<1x16xf32>,
        %swap3A_248 = vector.shape_cast %swap3A_247 : vector<1x16xf32> to vector<16xf32>
        %swap3A_249 = vector.shape_cast %mul3A_244 : vector<16xf32> to vector<1x16xf32>
        tpu.vector_store %arg6[%swap3A_245, %swap3A_246], %swap3A_249 {strides = array<i32>} : memref<200x64xf32, #tpu.memory_space<vmem>>, vector<1x16xf32>,
        %get3A_250 = arith.index_cast %scan3A_237 : i32 to index
        %get3A_251 = arith.constant 16 : index
        %get3A_252 = tpu.vector_load %arg6[%get3A_250, %get3A_251] {strides = array<i32>} : memref<200x64xf32, #tpu.memory_space<vmem>>, vector<1x16xf32>,
        %get3A_253 = vector.shape_cast %get3A_252 : vector<1x16xf32> to vector<16xf32>
        %mul3A_254 = arith.constant 8.000000e+00 : f32
        %mul3A_255 = vector.broadcast %mul3A_254 : f32 to vector<16xf32>
        %mul3A_256 = arith.mulf %get3A_253, %mul3A_255 : vector<16xf32>
        %swap3A_257 = arith.index_cast %scan3A_237 : i32 to index
        %swap3A_258 = arith.constant 16 : index
        %swap3A_259 = tpu.vector_load %arg6[%swap3A_257, %swap3A_258] {strides = array<i32>} : memref<200x64xf32, #tpu.memory_space<vmem>>, vector<1x16xf32>,
        %swap3A_260 = vector.shape_cast %swap3A_259 : vector<1x16xf32> to vector<16xf32>
        %swap3A_261 = vector.shape_cast %mul3A_256 : vector<16xf32> to vector<1x16xf32>
        tpu.vector_store %arg6[%swap3A_257, %swap3A_258], %swap3A_261 {strides = array<i32>} : memref<200x64xf32, #tpu.memory_space<vmem>>, vector<1x16xf32>,
        %get3A_262 = arith.index_cast %scan3A_237 : i32 to index
        %get3A_263 = arith.constant 32 : index
        %get3A_264 = tpu.vector_load %arg6[%get3A_262, %get3A_263] {strides = array<i32>} : memref<200x64xf32, #tpu.memory_space<vmem>>, vector<1x16xf32>,
        %get3A_265 = vector.shape_cast %get3A_264 : vector<1x16xf32> to vector<16xf32>
        %mul3A_266 = arith.constant 8.000000e+00 : f32
        %mul3A_267 = vector.broadcast %mul3A_266 : f32 to vector<16xf32>
        %mul3A_268 = arith.mulf %get3A_265, %mul3A_267 : vector<16xf32>
        %swap3A_269 = arith.index_cast %scan3A_237 : i32 to index
        %swap3A_270 = arith.constant 32 : index
        %swap3A_271 = tpu.vector_load %arg6[%swap3A_269, %swap3A_270] {strides = array<i32>} : memref<200x64xf32, #tpu.memory_space<vmem>>, vector<1x16xf32>,
        %swap3A_272 = vector.shape_cast %swap3A_271 : vector<1x16xf32> to vector<16xf32>
        %swap3A_273 = vector.shape_cast %mul3A_268 : vector<16xf32> to vector<1x16xf32>
        tpu.vector_store %arg6[%swap3A_269, %swap3A_270], %swap3A_273 {strides = array<i32>} : memref<200x64xf32, #tpu.memory_space<vmem>>, vector<1x16xf32>,
        %get3A_274 = arith.index_cast %scan3A_237 : i32 to index
        %get3A_275 = arith.constant 48 : index
        %get3A_276 = tpu.vector_load %arg6[%get3A_274, %get3A_275] {strides = array<i32>} : memref<200x64xf32, #tpu.memory_space<vmem>>, vector<1x16xf32>,
        %get3A_277 = vector.shape_cast %get3A_276 : vector<1x16xf32> to vector<16xf32>
        %mul3A_278 = arith.constant 8.000000e+00 : f32
        %mul3A_279 = vector.broadcast %mul3A_278 : f32 to vector<16xf32>
        %mul3A_280 = arith.mulf %get3A_277, %mul3A_279 : vector<16xf32>
        %swap3A_281 = arith.index_cast %scan3A_237 : i32 to index
        %swap3A_282 = arith.constant 48 : index
        %swap3A_283 = tpu.vector_load %arg6[%swap3A_281, %swap3A_282] {strides = array<i32>} : memref<200x64xf32, #tpu.memory_space<vmem>>, vector<1x16xf32>,
        %swap3A_284 = vector.shape_cast %swap3A_283 : vector<1x16xf32> to vector<16xf32>
        %swap3A_285 = vector.shape_cast %mul3A_280 : vector<16xf32> to vector<1x16xf32>
        tpu.vector_store %arg6[%swap3A_281, %swap3A_282], %swap3A_285 {strides = array<i32>} : memref<200x64xf32, #tpu.memory_space<vmem>>, vector<1x16xf32>,
        %scan3A_286 = arith.constant 2 : i32
        %scan3A_287 = arith.addi %scan3A_189, %scan3A_286 : i32
        %get3A_288 = arith.index_cast %scan3A_287 : i32 to index
        %get3A_289 = arith.constant 0 : index
        %get3A_290 = tpu.vector_load %arg6[%get3A_288, %get3A_289] {strides = array<i32>} : memref<200x64xf32, #tpu.memory_space<vmem>>, vector<1x16xf32>,
        %get3A_291 = vector.shape_cast %get3A_290 : vector<1x16xf32> to vector<16xf32>
        %mul3A_292 = arith.constant 8.000000e+00 : f32
        %mul3A_293 = vector.broadcast %mul3A_292 : f32 to vector<16xf32>
        %mul3A_294 = arith.mulf %get3A_291, %mul3A_293 : vector<16xf32>
        %swap3A_295 = arith.index_cast %scan3A_287 : i32 to index
        %swap3A_296 = arith.constant 0 : index
        %swap3A_297 = tpu.vector_load %arg6[%swap3A_295, %swap3A_296] {strides = array<i32>} : memref<200x64xf32, #tpu.memory_space<vmem>>, vector<1x16xf32>,
        %swap3A_298 = vector.shape_cast %swap3A_297 : vector<1x16xf32> to vector<16xf32>
        %swap3A_299 = vector.shape_cast %mul3A_294 : vector<16xf32> to vector<1x16xf32>
        tpu.vector_store %arg6[%swap3A_295, %swap3A_296], %swap3A_299 {strides = array<i32>} : memref<200x64xf32, #tpu.memory_space<vmem>>, vector<1x16xf32>,
        %get3A_300 = arith.index_cast %scan3A_287 : i32 to index
        %get3A_301 = arith.constant 16 : index
        %get3A_302 = tpu.vector_load %arg6[%get3A_300, %get3A_301] {strides = array<i32>} : memref<200x64xf32, #tpu.memory_space<vmem>>, vector<1x16xf32>,
        %get3A_303 = vector.shape_cast %get3A_302 : vector<1x16xf32> to vector<16xf32>
        %mul3A_304 = arith.constant 8.000000e+00 : f32
        %mul3A_305 = vector.broadcast %mul3A_304 : f32 to vector<16xf32>
        %mul3A_306 = arith.mulf %get3A_303, %mul3A_305 : vector<16xf32>
        %swap3A_307 = arith.index_cast %scan3A_287 : i32 to index
        %swap3A_308 = arith.constant 16 : index
        %swap3A_309 = tpu.vector_load %arg6[%swap3A_307, %swap3A_308] {strides = array<i32>} : memref<200x64xf32, #tpu.memory_space<vmem>>, vector<1x16xf32>,
        %swap3A_310 = vector.shape_cast %swap3A_309 : vector<1x16xf32> to vector<16xf32>
        %swap3A_311 = vector.shape_cast %mul3A_306 : vector<16xf32> to vector<1x16xf32>
        tpu.vector_store %arg6[%swap3A_307, %swap3A_308], %swap3A_311 {strides = array<i32>} : memref<200x64xf32, #tpu.memory_space<vmem>>, vector<1x16xf32>,
        %get3A_312 = arith.index_cast %scan3A_287 : i32 to index
        %get3A_313 = arith.constant 32 : index
        %get3A_314 = tpu.vector_load %arg6[%get3A_312, %get3A_313] {strides = array<i32>} : memref<200x64xf32, #tpu.memory_space<vmem>>, vector<1x16xf32>,
        %get3A_315 = vector.shape_cast %get3A_314 : vector<1x16xf32> to vector<16xf32>
        %mul3A_316 = arith.constant 8.000000e+00 : f32
        %mul3A_317 = vector.broadcast %mul3A_316 : f32 to vector<16xf32>
        %mul3A_318 = arith.mulf %get3A_315, %mul3A_317 : vector<16xf32>
        %swap3A_319 = arith.index_cast %scan3A_287 : i32 to index
        %swap3A_320 = arith.constant 32 : index
        %swap3A_321 = tpu.vector_load %arg6[%swap3A_319, %swap3A_320] {strides = array<i32>} : memref<200x64xf32, #tpu.memory_space<vmem>>, vector<1x16xf32>,
        %swap3A_322 = vector.shape_cast %swap3A_321 : vector<1x16xf32> to vector<16xf32>
        %swap3A_323 = vector.shape_cast %mul3A_318 : vector<16xf32> to vector<1x16xf32>
        tpu.vector_store %arg6[%swap3A_319, %swap3A_320], %swap3A_323 {strides = array<i32>} : memref<200x64xf32, #tpu.memory_space<vmem>>, vector<1x16xf32>,
        %get3A_324 = arith.index_cast %scan3A_287 : i32 to index
        %get3A_325 = arith.constant 48 : index
        %get3A_326 = tpu.vector_load %arg6[%get3A_324, %get3A_325] {strides = array<i32>} : memref<200x64xf32, #tpu.memory_space<vmem>>, vector<1x16xf32>,
        %get3A_327 = vector.shape_cast %get3A_326 : vector<1x16xf32> to vector<16xf32>
        %mul3A_328 = arith.constant 8.000000e+00 : f32
        %mul3A_329 = vector.broadcast %mul3A_328 : f32 to vector<16xf32>
        %mul3A_330 = arith.mulf %get3A_327, %mul3A_329 : vector<16xf32>
        %swap3A_331 = arith.index_cast %scan3A_287 : i32 to index
        %swap3A_332 = arith.constant 48 : index
        %swap3A_333 = tpu.vector_load %arg6[%swap3A_331, %swap3A_332] {strides = array<i32>} : memref<200x64xf32, #tpu.memory_space<vmem>>, vector<1x16xf32>,
        %swap3A_334 = vector.shape_cast %swap3A_333 : vector<1x16xf32> to vector<16xf32>
        %swap3A_335 = vector.shape_cast %mul3A_330 : vector<16xf32> to vector<1x16xf32>
        tpu.vector_store %arg6[%swap3A_331, %swap3A_332], %swap3A_335 {strides = array<i32>} : memref<200x64xf32, #tpu.memory_space<vmem>>, vector<1x16xf32>,
        %scan3A_336 = arith.constant 3 : i32
        %scan3A_337 = arith.addi %scan3A_189, %scan3A_336 : i32
        %get3A_338 = arith.index_cast %scan3A_337 : i32 to index
        %get3A_339 = arith.constant 0 : index
        %get3A_340 = tpu.vector_load %arg6[%get3A_338, %get3A_339] {strides = array<i32>} : memref<200x64xf32, #tpu.memory_space<vmem>>, vector<1x16xf32>,
        %get3A_341 = vector.shape_cast %get3A_340 : vector<1x16xf32> to vector<16xf32>
        %mul3A_342 = arith.constant 8.000000e+00 : f32
        %mul3A_343 = vector.broadcast %mul3A_342 : f32 to vector<16xf32>
        %mul3A_344 = arith.mulf %get3A_341, %mul3A_343 : vector<16xf32>
        %swap3A_345 = arith.index_cast %scan3A_337 : i32 to index
        %swap3A_346 = arith.constant 0 : index
        %swap3A_347 = tpu.vector_load %arg6[%swap3A_345, %swap3A_346] {strides = array<i32>} : memref<200x64xf32, #tpu.memory_space<vmem>>, vector<1x16xf32>,
        %swap3A_348 = vector.shape_cast %swap3A_347 : vector<1x16xf32> to vector<16xf32>
        %swap3A_349 = vector.shape_cast %mul3A_344 : vector<16xf32> to vector<1x16xf32>
        tpu.vector_store %arg6[%swap3A_345, %swap3A_346], %swap3A_349 {strides = array<i32>} : memref<200x64xf32, #tpu.memory_space<vmem>>, vector<1x16xf32>,
        %get3A_350 = arith.index_cast %scan3A_337 : i32 to index
        %get3A_351 = arith.constant 16 : index
        %get3A_352 = tpu.vector_load %arg6[%get3A_350, %get3A_351] {strides = array<i32>} : memref<200x64xf32, #tpu.memory_space<vmem>>, vector<1x16xf32>,
        %get3A_353 = vector.shape_cast %get3A_352 : vector<1x16xf32> to vector<16xf32>
        %mul3A_354 = arith.constant 8.000000e+00 : f32
        %mul3A_355 = vector.broadcast %mul3A_354 : f32 to vector<16xf32>
        %mul3A_356 = arith.mulf %get3A_353, %mul3A_355 : vector<16xf32>
        %swap3A_357 = arith.index_cast %scan3A_337 : i32 to index
        %swap3A_358 = arith.constant 16 : index
        %swap3A_359 = tpu.vector_load %arg6[%swap3A_357, %swap3A_358] {strides = array<i32>} : memref<200x64xf32, #tpu.memory_space<vmem>>, vector<1x16xf32>,
        %swap3A_360 = vector.shape_cast %swap3A_359 : vector<1x16xf32> to vector<16xf32>
        %swap3A_361 = vector.shape_cast %mul3A_356 : vector<16xf32> to vector<1x16xf32>
        tpu.vector_store %arg6[%swap3A_357, %swap3A_358], %swap3A_361 {strides = array<i32>} : memref<200x64xf32, #tpu.memory_space<vmem>>, vector<1x16xf32>,
        %get3A_362 = arith.index_cast %scan3A_337 : i32 to index
        %get3A_363 = arith.constant 32 : index
        %get3A_364 = tpu.vector_load %arg6[%get3A_362, %get3A_363] {strides = array<i32>} : memref<200x64xf32, #tpu.memory_space<vmem>>, vector<1x16xf32>,
        %get3A_365 = vector.shape_cast %get3A_364 : vector<1x16xf32> to vector<16xf32>
        %mul3A_366 = arith.constant 8.000000e+00 : f32
        %mul3A_367 = vector.broadcast %mul3A_366 : f32 to vector<16xf32>
        %mul3A_368 = arith.mulf %get3A_365, %mul3A_367 : vector<16xf32>
        %swap3A_369 = arith.index_cast %scan3A_337 : i32 to index
        %swap3A_370 = arith.constant 32 : index
        %swap3A_371 = tpu.vector_load %arg6[%swap3A_369, %swap3A_370] {strides = array<i32>} : memref<200x64xf32, #tpu.memory_space<vmem>>, vector<1x16xf32>,
        %swap3A_372 = vector.shape_cast %swap3A_371 : vector<1x16xf32> to vector<16xf32>
        %swap3A_373 = vector.shape_cast %mul3A_368 : vector<16xf32> to vector<1x16xf32>
        tpu.vector_store %arg6[%swap3A_369, %swap3A_370], %swap3A_373 {strides = array<i32>} : memref<200x64xf32, #tpu.memory_space<vmem>>, vector<1x16xf32>,
        %get3A_374 = arith.index_cast %scan3A_337 : i32 to index
        %get3A_375 = arith.constant 48 : index
        %get3A_376 = tpu.vector_load %arg6[%get3A_374, %get3A_375] {strides = array<i32>} : memref<200x64xf32, #tpu.memory_space<vmem>>, vector<1x16xf32>,
        %get3A_377 = vector.shape_cast %get3A_376 : vector<1x16xf32> to vector<16xf32>
        %mul3A_378 = arith.constant 8.000000e+00 : f32
        %mul3A_379 = vector.broadcast %mul3A_378 : f32 to vector<16xf32>
        %mul3A_380 = arith.mulf %get3A_377, %mul3A_379 : vector<16xf32>
        %swap3A_381 = arith.index_cast %scan3A_337 : i32 to index
        %swap3A_382 = arith.constant 48 : index
        %swap3A_383 = tpu.vector_load %arg6[%swap3A_381, %swap3A_382] {strides = array<i32>} : memref<200x64xf32, #tpu.memory_space<vmem>>, vector<1x16xf32>,
        %swap3A_384 = vector.shape_cast %swap3A_383 : vector<1x16xf32> to vector<16xf32>
        %swap3A_385 = vector.shape_cast %mul3A_380 : vector<16xf32> to vector<1x16xf32>
        tpu.vector_store %arg6[%swap3A_381, %swap3A_382], %swap3A_385 {strides = array<i32>} : memref<200x64xf32, #tpu.memory_space<vmem>>, vector<1x16xf32>,
      }
      %scan3A_62 = arith.constant 200 : i32
      %add3A_63 = arith.addi %mul3A_2, %add3A_41 : i32
      %dma_start3A_64 = arith.constant 0 : i32
      %dma_start3A_65 = arith.constant 0 : i32
      %dma_start3A_66 = tpu.memref_slice %arg4[%add3A_63, %dma_start3A_64, %dma_start3A_65] : memref<4096x200x64xf32, #tpu.memory_space<hbm>> -> memref<1x200x64xf32, #tpu.memory_space<hbm>>
      %dma_start3A_67 = tpu.memref_squeeze %dma_start3A_66 : memref<1x200x64xf32, #tpu.memory_space<hbm>> -> memref<200x64xf32, #tpu.memory_space<hbm>>
      %dma_start3A_68 = arith.constant 0 : i32
      %dma_start3A_69 = arith.constant 0 : i32
      %dma_start3A_70 = tpu.memref_slice %arg4[%add3A_63, %dma_start3A_68, %dma_start3A_69] : memref<4096x200x64xf32, #tpu.memory_space<hbm>> -> memref<1x200x64xf32, #tpu.memory_space<hbm>>
      %dma_start3A_71 = tpu.memref_squeeze %dma_start3A_70 : memref<1x200x64xf32, #tpu.memory_space<hbm>> -> memref<200x64xf32, #tpu.memory_space<hbm>>
      tpu.enqueue_dma source(%arg6 : memref<200x64xf32, #tpu.memory_space<vmem>>) target(%dma_start3A_71 : memref<200x64xf32, #tpu.memory_space<hbm>>) target_semaphore(%arg14 : memref<!tpu.dma_semaphore, #tpu.memory_space<semaphore_mem>>)
      %mul3A_72 = arith.constant 4 : i32
      %mul3A_73 = arith.muli %scan3A_37, %mul3A_72 : i32
      %add3A_74 = arith.constant 1 : i32
      %add3A_75 = arith.addi %mul3A_73, %add3A_74 : i32
      %dma_wait3A_76 = arith.constant 0 : i32
      %dma_wait3A_77 = tpu.memref_slice %arg5[%add3A_75, %dma_wait3A_76] : memref<128x200xi32, #tpu.memory_space<vmem>> -> memref<1x200xi32, #tpu.memory_space<vmem>>
      %dma_wait3A_78 = tpu.memref_squeeze %dma_wait3A_77 : memref<1x200xi32, #tpu.memory_space<vmem>> -> memref<200xi32, #tpu.memory_space<vmem>>
      %dma_wait3A_79 = arith.constant 0 : i32
      %dma_wait3A_80 = arith.constant 0 : i32
      %dma_wait3A_81 = tpu.memref_slice %arg3[%dma_wait3A_79, %dma_wait3A_80] : memref<1000000x64xf32, #tpu.memory_space<hbm>> -> memref<1000000x64xf32, #tpu.memory_space<hbm>>
      tpu.wait_indirect_dma semaphore(%arg11 : memref<!tpu.dma_semaphore, #tpu.memory_space<semaphore_mem>>) src(%dma_wait3A_81 : memref<1000000x64xf32, #tpu.memory_space<hbm>>) dst(%arg7 : memref<200x64xf32, #tpu.memory_space<vmem>>)
      %ge3A_82 = arith.constant 1 : i32
      %ge3A_83 = arith.cmpi sge, %add3A_75, %ge3A_82 : i32
      %convert_element_type3A_84 = arith.extui %ge3A_83 : i1 to i32
      %cond3A_85 = arith.constant 0 : i32
      %cond3A_86 = arith.cmpi ne, %convert_element_type3A_84, %cond3A_85 : i32
      scf.if %cond3A_86 {
        %sub3A_189 = arith.constant 1 : i32
        %sub3A_190 = arith.subi %add3A_75, %sub3A_189 : i32
        %add3A_191 = arith.addi %mul3A_2, %sub3A_190 : i32
        %dma_wait3A_192 = arith.constant 0 : i32
        %dma_wait3A_193 = arith.constant 0 : i32
        %dma_wait3A_194 = tpu.memref_slice %arg4[%add3A_191, %dma_wait3A_192, %dma_wait3A_193] : memref<4096x200x64xf32, #tpu.memory_space<hbm>> -> memref<1x200x64xf32, #tpu.memory_space<hbm>>
        %dma_wait3A_195 = tpu.memref_squeeze %dma_wait3A_194 : memref<1x200x64xf32, #tpu.memory_space<hbm>> -> memref<200x64xf32, #tpu.memory_space<hbm>>
        %dma_wait3A_196 = arith.constant 0 : i32
        %dma_wait3A_197 = arith.constant 0 : i32
        %dma_wait3A_198 = tpu.memref_slice %arg4[%add3A_191, %dma_wait3A_196, %dma_wait3A_197] : memref<4096x200x64xf32, #tpu.memory_space<hbm>> -> memref<1x200x64xf32, #tpu.memory_space<hbm>>
        %dma_wait3A_199 = tpu.memref_squeeze %dma_wait3A_198 : memref<1x200x64xf32, #tpu.memory_space<hbm>> -> memref<200x64xf32, #tpu.memory_space<hbm>>
        tpu.wait_dma2 semaphore(%arg14 : memref<!tpu.dma_semaphore, #tpu.memory_space<semaphore_mem>>) src(%arg6 : memref<200x64xf32, #tpu.memory_space<vmem>>) dst(%dma_wait3A_199 : memref<200x64xf32, #tpu.memory_space<hbm>>)
      } else {
      }
      %add3A_87 = arith.constant 4 : i32
      %add3A_88 = arith.addi %add3A_75, %add3A_87 : i32
      %sub3A_89 = arith.constant 1 : i32
      %sub3A_90 = arith.subi %add3A_88, %sub3A_89 : i32
      %lt3A_91 = arith.constant 128 : i32
      %lt3A_92 = arith.cmpi slt, %sub3A_90, %lt3A_91 : i32
      %convert_element_type3A_93 = arith.extui %lt3A_92 : i1 to i32
      %cond3A_94 = arith.constant 0 : i32
      %cond3A_95 = arith.cmpi ne, %convert_element_type3A_93, %cond3A_94 : i32
      scf.if %cond3A_95 {
        %add3A_189 = arith.constant 4 : i32
        %add3A_190 = arith.addi %add3A_75, %add3A_189 : i32
        %sub3A_191 = arith.constant 1 : i32
        %sub3A_192 = arith.subi %add3A_190, %sub3A_191 : i32
        %dma_start3A_193 = arith.constant 0 : i32
        %dma_start3A_194 = tpu.memref_slice %arg5[%sub3A_192, %dma_start3A_193] : memref<128x200xi32, #tpu.memory_space<vmem>> -> memref<1x200xi32, #tpu.memory_space<vmem>>
        %dma_start3A_195 = tpu.memref_squeeze %dma_start3A_194 : memref<1x200xi32, #tpu.memory_space<vmem>> -> memref<200xi32, #tpu.memory_space<vmem>>
        %dma_start3A_196 = arith.constant 0 : i32
        %dma_start3A_197 = arith.constant 0 : i32
        %dma_start3A_198 = tpu.memref_slice %arg3[%dma_start3A_196, %dma_start3A_197] : memref<1000000x64xf32, #tpu.memory_space<hbm>> -> memref<1000000x64xf32, #tpu.memory_space<hbm>>
        tpu.enqueue_indirect_dma source(%dma_start3A_198 : memref<1000000x64xf32, #tpu.memory_space<hbm>>) target(%arg6 : memref<200x64xf32, #tpu.memory_space<vmem>>) offsets(%dma_start3A_195 : memref<200xi32, #tpu.memory_space<vmem>>) semaphore(%arg10 : memref<!tpu.dma_semaphore, #tpu.memory_space<semaphore_mem>>)
      } else {
      }
      %scan3A_96 = arith.constant 0 : i32
      %scan3A_97 = arith.constant 0 : i32
      %scan3A_98 = arith.constant 200 : i32
      %scan3A_99 = arith.addi %scan3A_97, %scan3A_98 : i32
      %scan3A_100 = arith.constant 4 : i32
      scf.for %scan3A_189 = %scan3A_97 to %scan3A_99 step %scan3A_100  : i32 {
        %get3A = arith.index_cast %scan3A_189 : i32 to index
        %get3A_190 = arith.constant 0 : index
        %get3A_191 = tpu.vector_load %arg7[%get3A, %get3A_190] {strides = array<i32>} : memref<200x64xf32, #tpu.memory_space<vmem>>, vector<1x16xf32>,
        %get3A_192 = vector.shape_cast %get3A_191 : vector<1x16xf32> to vector<16xf32>
        %mul3A_193 = arith.constant 8.000000e+00 : f32
        %mul3A_194 = vector.broadcast %mul3A_193 : f32 to vector<16xf32>
        %mul3A_195 = arith.mulf %get3A_192, %mul3A_194 : vector<16xf32>
        %swap3A = arith.index_cast %scan3A_189 : i32 to index
        %swap3A_196 = arith.constant 0 : index
        %swap3A_197 = tpu.vector_load %arg7[%swap3A, %swap3A_196] {strides = array<i32>} : memref<200x64xf32, #tpu.memory_space<vmem>>, vector<1x16xf32>,
        %swap3A_198 = vector.shape_cast %swap3A_197 : vector<1x16xf32> to vector<16xf32>
        %swap3A_199 = vector.shape_cast %mul3A_195 : vector<16xf32> to vector<1x16xf32>
        tpu.vector_store %arg7[%swap3A, %swap3A_196], %swap3A_199 {strides = array<i32>} : memref<200x64xf32, #tpu.memory_space<vmem>>, vector<1x16xf32>,
        %get3A_200 = arith.index_cast %scan3A_189 : i32 to index
        %get3A_201 = arith.constant 16 : index
        %get3A_202 = tpu.vector_load %arg7[%get3A_200, %get3A_201] {strides = array<i32>} : memref<200x64xf32, #tpu.memory_space<vmem>>, vector<1x16xf32>,
        %get3A_203 = vector.shape_cast %get3A_202 : vector<1x16xf32> to vector<16xf32>
        %mul3A_204 = arith.constant 8.000000e+00 : f32
        %mul3A_205 = vector.broadcast %mul3A_204 : f32 to vector<16xf32>
        %mul3A_206 = arith.mulf %get3A_203, %mul3A_205 : vector<16xf32>
        %swap3A_207 = arith.index_cast %scan3A_189 : i32 to index
        %swap3A_208 = arith.constant 16 : index
        %swap3A_209 = tpu.vector_load %arg7[%swap3A_207, %swap3A_208] {strides = array<i32>} : memref<200x64xf32, #tpu.memory_space<vmem>>, vector<1x16xf32>,
        %swap3A_210 = vector.shape_cast %swap3A_209 : vector<1x16xf32> to vector<16xf32>
        %swap3A_211 = vector.shape_cast %mul3A_206 : vector<16xf32> to vector<1x16xf32>
        tpu.vector_store %arg7[%swap3A_207, %swap3A_208], %swap3A_211 {strides = array<i32>} : memref<200x64xf32, #tpu.memory_space<vmem>>, vector<1x16xf32>,
        %get3A_212 = arith.index_cast %scan3A_189 : i32 to index
        %get3A_213 = arith.constant 32 : index
        %get3A_214 = tpu.vector_load %arg7[%get3A_212, %get3A_213] {strides = array<i32>} : memref<200x64xf32, #tpu.memory_space<vmem>>, vector<1x16xf32>,
        %get3A_215 = vector.shape_cast %get3A_214 : vector<1x16xf32> to vector<16xf32>
        %mul3A_216 = arith.constant 8.000000e+00 : f32
        %mul3A_217 = vector.broadcast %mul3A_216 : f32 to vector<16xf32>
        %mul3A_218 = arith.mulf %get3A_215, %mul3A_217 : vector<16xf32>
        %swap3A_219 = arith.index_cast %scan3A_189 : i32 to index
        %swap3A_220 = arith.constant 32 : index
        %swap3A_221 = tpu.vector_load %arg7[%swap3A_219, %swap3A_220] {strides = array<i32>} : memref<200x64xf32, #tpu.memory_space<vmem>>, vector<1x16xf32>,
        %swap3A_222 = vector.shape_cast %swap3A_221 : vector<1x16xf32> to vector<16xf32>
        %swap3A_223 = vector.shape_cast %mul3A_218 : vector<16xf32> to vector<1x16xf32>
        tpu.vector_store %arg7[%swap3A_219, %swap3A_220], %swap3A_223 {strides = array<i32>} : memref<200x64xf32, #tpu.memory_space<vmem>>, vector<1x16xf32>,
        %get3A_224 = arith.index_cast %scan3A_189 : i32 to index
        %get3A_225 = arith.constant 48 : index
        %get3A_226 = tpu.vector_load %arg7[%get3A_224, %get3A_225] {strides = array<i32>} : memref<200x64xf32, #tpu.memory_space<vmem>>, vector<1x16xf32>,
        %get3A_227 = vector.shape_cast %get3A_226 : vector<1x16xf32> to vector<16xf32>
        %mul3A_228 = arith.constant 8.000000e+00 : f32
        %mul3A_229 = vector.broadcast %mul3A_228 : f32 to vector<16xf32>
        %mul3A_230 = arith.mulf %get3A_227, %mul3A_229 : vector<16xf32>
        %swap3A_231 = arith.index_cast %scan3A_189 : i32 to index
        %swap3A_232 = arith.constant 48 : index
        %swap3A_233 = tpu.vector_load %arg7[%swap3A_231, %swap3A_232] {strides = array<i32>} : memref<200x64xf32, #tpu.memory_space<vmem>>, vector<1x16xf32>,
        %swap3A_234 = vector.shape_cast %swap3A_233 : vector<1x16xf32> to vector<16xf32>
        %swap3A_235 = vector.shape_cast %mul3A_230 : vector<16xf32> to vector<1x16xf32>
        tpu.vector_store %arg7[%swap3A_231, %swap3A_232], %swap3A_235 {strides = array<i32>} : memref<200x64xf32, #tpu.memory_space<vmem>>, vector<1x16xf32>,
        %scan3A_236 = arith.constant 1 : i32
        %scan3A_237 = arith.addi %scan3A_189, %scan3A_236 : i32
        %get3A_238 = arith.index_cast %scan3A_237 : i32 to index
        %get3A_239 = arith.constant 0 : index
        %get3A_240 = tpu.vector_load %arg7[%get3A_238, %get3A_239] {strides = array<i32>} : memref<200x64xf32, #tpu.memory_space<vmem>>, vector<1x16xf32>,
        %get3A_241 = vector.shape_cast %get3A_240 : vector<1x16xf32> to vector<16xf32>
        %mul3A_242 = arith.constant 8.000000e+00 : f32
        %mul3A_243 = vector.broadcast %mul3A_242 : f32 to vector<16xf32>
        %mul3A_244 = arith.mulf %get3A_241, %mul3A_243 : vector<16xf32>
        %swap3A_245 = arith.index_cast %scan3A_237 : i32 to index
        %swap3A_246 = arith.constant 0 : index
        %swap3A_247 = tpu.vector_load %arg7[%swap3A_245, %swap3A_246] {strides = array<i32>} : memref<200x64xf32, #tpu.memory_space<vmem>>, vector<1x16xf32>,
        %swap3A_248 = vector.shape_cast %swap3A_247 : vector<1x16xf32> to vector<16xf32>
        %swap3A_249 = vector.shape_cast %mul3A_244 : vector<16xf32> to vector<1x16xf32>
        tpu.vector_store %arg7[%swap3A_245, %swap3A_246], %swap3A_249 {strides = array<i32>} : memref<200x64xf32, #tpu.memory_space<vmem>>, vector<1x16xf32>,
        %get3A_250 = arith.index_cast %scan3A_237 : i32 to index
        %get3A_251 = arith.constant 16 : index
        %get3A_252 = tpu.vector_load %arg7[%get3A_250, %get3A_251] {strides = array<i32>} : memref<200x64xf32, #tpu.memory_space<vmem>>, vector<1x16xf32>,
        %get3A_253 = vector.shape_cast %get3A_252 : vector<1x16xf32> to vector<16xf32>
        %mul3A_254 = arith.constant 8.000000e+00 : f32
        %mul3A_255 = vector.broadcast %mul3A_254 : f32 to vector<16xf32>
        %mul3A_256 = arith.mulf %get3A_253, %mul3A_255 : vector<16xf32>
        %swap3A_257 = arith.index_cast %scan3A_237 : i32 to index
        %swap3A_258 = arith.constant 16 : index
        %swap3A_259 = tpu.vector_load %arg7[%swap3A_257, %swap3A_258] {strides = array<i32>} : memref<200x64xf32, #tpu.memory_space<vmem>>, vector<1x16xf32>,
        %swap3A_260 = vector.shape_cast %swap3A_259 : vector<1x16xf32> to vector<16xf32>
        %swap3A_261 = vector.shape_cast %mul3A_256 : vector<16xf32> to vector<1x16xf32>
        tpu.vector_store %arg7[%swap3A_257, %swap3A_258], %swap3A_261 {strides = array<i32>} : memref<200x64xf32, #tpu.memory_space<vmem>>, vector<1x16xf32>,
        %get3A_262 = arith.index_cast %scan3A_237 : i32 to index
        %get3A_263 = arith.constant 32 : index
        %get3A_264 = tpu.vector_load %arg7[%get3A_262, %get3A_263] {strides = array<i32>} : memref<200x64xf32, #tpu.memory_space<vmem>>, vector<1x16xf32>,
        %get3A_265 = vector.shape_cast %get3A_264 : vector<1x16xf32> to vector<16xf32>
        %mul3A_266 = arith.constant 8.000000e+00 : f32
        %mul3A_267 = vector.broadcast %mul3A_266 : f32 to vector<16xf32>
        %mul3A_268 = arith.mulf %get3A_265, %mul3A_267 : vector<16xf32>
        %swap3A_269 = arith.index_cast %scan3A_237 : i32 to index
        %swap3A_270 = arith.constant 32 : index
        %swap3A_271 = tpu.vector_load %arg7[%swap3A_269, %swap3A_270] {strides = array<i32>} : memref<200x64xf32, #tpu.memory_space<vmem>>, vector<1x16xf32>,
        %swap3A_272 = vector.shape_cast %swap3A_271 : vector<1x16xf32> to vector<16xf32>
        %swap3A_273 = vector.shape_cast %mul3A_268 : vector<16xf32> to vector<1x16xf32>
        tpu.vector_store %arg7[%swap3A_269, %swap3A_270], %swap3A_273 {strides = array<i32>} : memref<200x64xf32, #tpu.memory_space<vmem>>, vector<1x16xf32>,
        %get3A_274 = arith.index_cast %scan3A_237 : i32 to index
        %get3A_275 = arith.constant 48 : index
        %get3A_276 = tpu.vector_load %arg7[%get3A_274, %get3A_275] {strides = array<i32>} : memref<200x64xf32, #tpu.memory_space<vmem>>, vector<1x16xf32>,
        %get3A_277 = vector.shape_cast %get3A_276 : vector<1x16xf32> to vector<16xf32>
        %mul3A_278 = arith.constant 8.000000e+00 : f32
        %mul3A_279 = vector.broadcast %mul3A_278 : f32 to vector<16xf32>
        %mul3A_280 = arith.mulf %get3A_277, %mul3A_279 : vector<16xf32>
        %swap3A_281 = arith.index_cast %scan3A_237 : i32 to index
        %swap3A_282 = arith.constant 48 : index
        %swap3A_283 = tpu.vector_load %arg7[%swap3A_281, %swap3A_282] {strides = array<i32>} : memref<200x64xf32, #tpu.memory_space<vmem>>, vector<1x16xf32>,
        %swap3A_284 = vector.shape_cast %swap3A_283 : vector<1x16xf32> to vector<16xf32>
        %swap3A_285 = vector.shape_cast %mul3A_280 : vector<16xf32> to vector<1x16xf32>
        tpu.vector_store %arg7[%swap3A_281, %swap3A_282], %swap3A_285 {strides = array<i32>} : memref<200x64xf32, #tpu.memory_space<vmem>>, vector<1x16xf32>,
        %scan3A_286 = arith.constant 2 : i32
        %scan3A_287 = arith.addi %scan3A_189, %scan3A_286 : i32
        %get3A_288 = arith.index_cast %scan3A_287 : i32 to index
        %get3A_289 = arith.constant 0 : index
        %get3A_290 = tpu.vector_load %arg7[%get3A_288, %get3A_289] {strides = array<i32>} : memref<200x64xf32, #tpu.memory_space<vmem>>, vector<1x16xf32>,
        %get3A_291 = vector.shape_cast %get3A_290 : vector<1x16xf32> to vector<16xf32>
        %mul3A_292 = arith.constant 8.000000e+00 : f32
        %mul3A_293 = vector.broadcast %mul3A_292 : f32 to vector<16xf32>
        %mul3A_294 = arith.mulf %get3A_291, %mul3A_293 : vector<16xf32>
        %swap3A_295 = arith.index_cast %scan3A_287 : i32 to index
        %swap3A_296 = arith.constant 0 : index
        %swap3A_297 = tpu.vector_load %arg7[%swap3A_295, %swap3A_296] {strides = array<i32>} : memref<200x64xf32, #tpu.memory_space<vmem>>, vector<1x16xf32>,
        %swap3A_298 = vector.shape_cast %swap3A_297 : vector<1x16xf32> to vector<16xf32>
        %swap3A_299 = vector.shape_cast %mul3A_294 : vector<16xf32> to vector<1x16xf32>
        tpu.vector_store %arg7[%swap3A_295, %swap3A_296], %swap3A_299 {strides = array<i32>} : memref<200x64xf32, #tpu.memory_space<vmem>>, vector<1x16xf32>,
        %get3A_300 = arith.index_cast %scan3A_287 : i32 to index
        %get3A_301 = arith.constant 16 : index
        %get3A_302 = tpu.vector_load %arg7[%get3A_300, %get3A_301] {strides = array<i32>} : memref<200x64xf32, #tpu.memory_space<vmem>>, vector<1x16xf32>,
        %get3A_303 = vector.shape_cast %get3A_302 : vector<1x16xf32> to vector<16xf32>
        %mul3A_304 = arith.constant 8.000000e+00 : f32
        %mul3A_305 = vector.broadcast %mul3A_304 : f32 to vector<16xf32>
        %mul3A_306 = arith.mulf %get3A_303, %mul3A_305 : vector<16xf32>
        %swap3A_307 = arith.index_cast %scan3A_287 : i32 to index
        %swap3A_308 = arith.constant 16 : index
        %swap3A_309 = tpu.vector_load %arg7[%swap3A_307, %swap3A_308] {strides = array<i32>} : memref<200x64xf32, #tpu.memory_space<vmem>>, vector<1x16xf32>,
        %swap3A_310 = vector.shape_cast %swap3A_309 : vector<1x16xf32> to vector<16xf32>
        %swap3A_311 = vector.shape_cast %mul3A_306 : vector<16xf32> to vector<1x16xf32>
        tpu.vector_store %arg7[%swap3A_307, %swap3A_308], %swap3A_311 {strides = array<i32>} : memref<200x64xf32, #tpu.memory_space<vmem>>, vector<1x16xf32>,
        %get3A_312 = arith.index_cast %scan3A_287 : i32 to index
        %get3A_313 = arith.constant 32 : index
        %get3A_314 = tpu.vector_load %arg7[%get3A_312, %get3A_313] {strides = array<i32>} : memref<200x64xf32, #tpu.memory_space<vmem>>, vector<1x16xf32>,
        %get3A_315 = vector.shape_cast %get3A_314 : vector<1x16xf32> to vector<16xf32>
        %mul3A_316 = arith.constant 8.000000e+00 : f32
        %mul3A_317 = vector.broadcast %mul3A_316 : f32 to vector<16xf32>
        %mul3A_318 = arith.mulf %get3A_315, %mul3A_317 : vector<16xf32>
        %swap3A_319 = arith.index_cast %scan3A_287 : i32 to index
        %swap3A_320 = arith.constant 32 : index
        %swap3A_321 = tpu.vector_load %arg7[%swap3A_319, %swap3A_320] {strides = array<i32>} : memref<200x64xf32, #tpu.memory_space<vmem>>, vector<1x16xf32>,
        %swap3A_322 = vector.shape_cast %swap3A_321 : vector<1x16xf32> to vector<16xf32>
        %swap3A_323 = vector.shape_cast %mul3A_318 : vector<16xf32> to vector<1x16xf32>
        tpu.vector_store %arg7[%swap3A_319, %swap3A_320], %swap3A_323 {strides = array<i32>} : memref<200x64xf32, #tpu.memory_space<vmem>>, vector<1x16xf32>,
        %get3A_324 = arith.index_cast %scan3A_287 : i32 to index
        %get3A_325 = arith.constant 48 : index
        %get3A_326 = tpu.vector_load %arg7[%get3A_324, %get3A_325] {strides = array<i32>} : memref<200x64xf32, #tpu.memory_space<vmem>>, vector<1x16xf32>,
        %get3A_327 = vector.shape_cast %get3A_326 : vector<1x16xf32> to vector<16xf32>
        %mul3A_328 = arith.constant 8.000000e+00 : f32
        %mul3A_329 = vector.broadcast %mul3A_328 : f32 to vector<16xf32>
        %mul3A_330 = arith.mulf %get3A_327, %mul3A_329 : vector<16xf32>
        %swap3A_331 = arith.index_cast %scan3A_287 : i32 to index
        %swap3A_332 = arith.constant 48 : index
        %swap3A_333 = tpu.vector_load %arg7[%swap3A_331, %swap3A_332] {strides = array<i32>} : memref<200x64xf32, #tpu.memory_space<vmem>>, vector<1x16xf32>,
        %swap3A_334 = vector.shape_cast %swap3A_333 : vector<1x16xf32> to vector<16xf32>
        %swap3A_335 = vector.shape_cast %mul3A_330 : vector<16xf32> to vector<1x16xf32>
        tpu.vector_store %arg7[%swap3A_331, %swap3A_332], %swap3A_335 {strides = array<i32>} : memref<200x64xf32, #tpu.memory_space<vmem>>, vector<1x16xf32>,
        %scan3A_336 = arith.constant 3 : i32
        %scan3A_337 = arith.addi %scan3A_189, %scan3A_336 : i32
        %get3A_338 = arith.index_cast %scan3A_337 : i32 to index
        %get3A_339 = arith.constant 0 : index
        %get3A_340 = tpu.vector_load %arg7[%get3A_338, %get3A_339] {strides = array<i32>} : memref<200x64xf32, #tpu.memory_space<vmem>>, vector<1x16xf32>,
        %get3A_341 = vector.shape_cast %get3A_340 : vector<1x16xf32> to vector<16xf32>
        %mul3A_342 = arith.constant 8.000000e+00 : f32
        %mul3A_343 = vector.broadcast %mul3A_342 : f32 to vector<16xf32>
        %mul3A_344 = arith.mulf %get3A_341, %mul3A_343 : vector<16xf32>
        %swap3A_345 = arith.index_cast %scan3A_337 : i32 to index
        %swap3A_346 = arith.constant 0 : index
        %swap3A_347 = tpu.vector_load %arg7[%swap3A_345, %swap3A_346] {strides = array<i32>} : memref<200x64xf32, #tpu.memory_space<vmem>>, vector<1x16xf32>,
        %swap3A_348 = vector.shape_cast %swap3A_347 : vector<1x16xf32> to vector<16xf32>
        %swap3A_349 = vector.shape_cast %mul3A_344 : vector<16xf32> to vector<1x16xf32>
        tpu.vector_store %arg7[%swap3A_345, %swap3A_346], %swap3A_349 {strides = array<i32>} : memref<200x64xf32, #tpu.memory_space<vmem>>, vector<1x16xf32>,
        %get3A_350 = arith.index_cast %scan3A_337 : i32 to index
        %get3A_351 = arith.constant 16 : index
        %get3A_352 = tpu.vector_load %arg7[%get3A_350, %get3A_351] {strides = array<i32>} : memref<200x64xf32, #tpu.memory_space<vmem>>, vector<1x16xf32>,
        %get3A_353 = vector.shape_cast %get3A_352 : vector<1x16xf32> to vector<16xf32>
        %mul3A_354 = arith.constant 8.000000e+00 : f32
        %mul3A_355 = vector.broadcast %mul3A_354 : f32 to vector<16xf32>
        %mul3A_356 = arith.mulf %get3A_353, %mul3A_355 : vector<16xf32>
        %swap3A_357 = arith.index_cast %scan3A_337 : i32 to index
        %swap3A_358 = arith.constant 16 : index
        %swap3A_359 = tpu.vector_load %arg7[%swap3A_357, %swap3A_358] {strides = array<i32>} : memref<200x64xf32, #tpu.memory_space<vmem>>, vector<1x16xf32>,
        %swap3A_360 = vector.shape_cast %swap3A_359 : vector<1x16xf32> to vector<16xf32>
        %swap3A_361 = vector.shape_cast %mul3A_356 : vector<16xf32> to vector<1x16xf32>
        tpu.vector_store %arg7[%swap3A_357, %swap3A_358], %swap3A_361 {strides = array<i32>} : memref<200x64xf32, #tpu.memory_space<vmem>>, vector<1x16xf32>,
        %get3A_362 = arith.index_cast %scan3A_337 : i32 to index
        %get3A_363 = arith.constant 32 : index
        %get3A_364 = tpu.vector_load %arg7[%get3A_362, %get3A_363] {strides = array<i32>} : memref<200x64xf32, #tpu.memory_space<vmem>>, vector<1x16xf32>,
        %get3A_365 = vector.shape_cast %get3A_364 : vector<1x16xf32> to vector<16xf32>
        %mul3A_366 = arith.constant 8.000000e+00 : f32
        %mul3A_367 = vector.broadcast %mul3A_366 : f32 to vector<16xf32>
        %mul3A_368 = arith.mulf %get3A_365, %mul3A_367 : vector<16xf32>
        %swap3A_369 = arith.index_cast %scan3A_337 : i32 to index
        %swap3A_370 = arith.constant 32 : index
        %swap3A_371 = tpu.vector_load %arg7[%swap3A_369, %swap3A_370] {strides = array<i32>} : memref<200x64xf32, #tpu.memory_space<vmem>>, vector<1x16xf32>,
        %swap3A_372 = vector.shape_cast %swap3A_371 : vector<1x16xf32> to vector<16xf32>
        %swap3A_373 = vector.shape_cast %mul3A_368 : vector<16xf32> to vector<1x16xf32>
        tpu.vector_store %arg7[%swap3A_369, %swap3A_370], %swap3A_373 {strides = array<i32>} : memref<200x64xf32, #tpu.memory_space<vmem>>, vector<1x16xf32>,
        %get3A_374 = arith.index_cast %scan3A_337 : i32 to index
        %get3A_375 = arith.constant 48 : index
        %get3A_376 = tpu.vector_load %arg7[%get3A_374, %get3A_375] {strides = array<i32>} : memref<200x64xf32, #tpu.memory_space<vmem>>, vector<1x16xf32>,
        %get3A_377 = vector.shape_cast %get3A_376 : vector<1x16xf32> to vector<16xf32>
        %mul3A_378 = arith.constant 8.000000e+00 : f32
        %mul3A_379 = vector.broadcast %mul3A_378 : f32 to vector<16xf32>
        %mul3A_380 = arith.mulf %get3A_377, %mul3A_379 : vector<16xf32>
        %swap3A_381 = arith.index_cast %scan3A_337 : i32 to index
        %swap3A_382 = arith.constant 48 : index
        %swap3A_383 = tpu.vector_load %arg7[%swap3A_381, %swap3A_382] {strides = array<i32>} : memref<200x64xf32, #tpu.memory_space<vmem>>, vector<1x16xf32>,
        %swap3A_384 = vector.shape_cast %swap3A_383 : vector<1x16xf32> to vector<16xf32>
        %swap3A_385 = vector.shape_cast %mul3A_380 : vector<16xf32> to vector<1x16xf32>
        tpu.vector_store %arg7[%swap3A_381, %swap3A_382], %swap3A_385 {strides = array<i32>} : memref<200x64xf32, #tpu.memory_space<vmem>>, vector<1x16xf32>,
      }
      %scan3A_101 = arith.constant 200 : i32
      %add3A_102 = arith.addi %mul3A_2, %add3A_75 : i32
      %dma_start3A_103 = arith.constant 0 : i32
      %dma_start3A_104 = arith.constant 0 : i32
      %dma_start3A_105 = tpu.memref_slice %arg4[%add3A_102, %dma_start3A_103, %dma_start3A_104] : memref<4096x200x64xf32, #tpu.memory_space<hbm>> -> memref<1x200x64xf32, #tpu.memory_space<hbm>>
      %dma_start3A_106 = tpu.memref_squeeze %dma_start3A_105 : memref<1x200x64xf32, #tpu.memory_space<hbm>> -> memref<200x64xf32, #tpu.memory_space<hbm>>
      %dma_start3A_107 = arith.constant 0 : i32
      %dma_start3A_108 = arith.constant 0 : i32
      %dma_start3A_109 = tpu.memref_slice %arg4[%add3A_102, %dma_start3A_107, %dma_start3A_108] : memref<4096x200x64xf32, #tpu.memory_space<hbm>> -> memref<1x200x64xf32, #tpu.memory_space<hbm>>
      %dma_start3A_110 = tpu.memref_squeeze %dma_start3A_109 : memref<1x200x64xf32, #tpu.memory_space<hbm>> -> memref<200x64xf32, #tpu.memory_space<hbm>>
      tpu.enqueue_dma source(%arg7 : memref<200x64xf32, #tpu.memory_space<vmem>>) target(%dma_start3A_110 : memref<200x64xf32, #tpu.memory_space<hbm>>) target_semaphore(%arg15 : memref<!tpu.dma_semaphore, #tpu.memory_space<semaphore_mem>>)
      %mul3A_111 = arith.constant 4 : i32
      %mul3A_112 = arith.muli %scan3A_37, %mul3A_111 : i32
      %add3A_113 = arith.constant 2 : i32
      %add3A_114 = arith.addi %mul3A_112, %add3A_113 : i32
      %dma_wait3A_115 = arith.constant 0 : i32
      %dma_wait3A_116 = tpu.memref_slice %arg5[%add3A_114, %dma_wait3A_115] : memref<128x200xi32, #tpu.memory_space<vmem>> -> memref<1x200xi32, #tpu.memory_space<vmem>>
      %dma_wait3A_117 = tpu.memref_squeeze %dma_wait3A_116 : memref<1x200xi32, #tpu.memory_space<vmem>> -> memref<200xi32, #tpu.memory_space<vmem>>
      %dma_wait3A_118 = arith.constant 0 : i32
      %dma_wait3A_119 = arith.constant 0 : i32
      %dma_wait3A_120 = tpu.memref_slice %arg3[%dma_wait3A_118, %dma_wait3A_119] : memref<1000000x64xf32, #tpu.memory_space<hbm>> -> memref<1000000x64xf32, #tpu.memory_space<hbm>>
      tpu.wait_indirect_dma semaphore(%arg12 : memref<!tpu.dma_semaphore, #tpu.memory_space<semaphore_mem>>) src(%dma_wait3A_120 : memref<1000000x64xf32, #tpu.memory_space<hbm>>) dst(%arg8 : memref<200x64xf32, #tpu.memory_space<vmem>>)
      %ge3A_121 = arith.constant 1 : i32
      %ge3A_122 = arith.cmpi sge, %add3A_114, %ge3A_121 : i32
      %convert_element_type3A_123 = arith.extui %ge3A_122 : i1 to i32
      %cond3A_124 = arith.constant 0 : i32
      %cond3A_125 = arith.cmpi ne, %convert_element_type3A_123, %cond3A_124 : i32
      scf.if %cond3A_125 {
        %sub3A_189 = arith.constant 1 : i32
        %sub3A_190 = arith.subi %add3A_114, %sub3A_189 : i32
        %add3A_191 = arith.addi %mul3A_2, %sub3A_190 : i32
        %dma_wait3A_192 = arith.constant 0 : i32
        %dma_wait3A_193 = arith.constant 0 : i32
        %dma_wait3A_194 = tpu.memref_slice %arg4[%add3A_191, %dma_wait3A_192, %dma_wait3A_193] : memref<4096x200x64xf32, #tpu.memory_space<hbm>> -> memref<1x200x64xf32, #tpu.memory_space<hbm>>
        %dma_wait3A_195 = tpu.memref_squeeze %dma_wait3A_194 : memref<1x200x64xf32, #tpu.memory_space<hbm>> -> memref<200x64xf32, #tpu.memory_space<hbm>>
        %dma_wait3A_196 = arith.constant 0 : i32
        %dma_wait3A_197 = arith.constant 0 : i32
        %dma_wait3A_198 = tpu.memref_slice %arg4[%add3A_191, %dma_wait3A_196, %dma_wait3A_197] : memref<4096x200x64xf32, #tpu.memory_space<hbm>> -> memref<1x200x64xf32, #tpu.memory_space<hbm>>
        %dma_wait3A_199 = tpu.memref_squeeze %dma_wait3A_198 : memref<1x200x64xf32, #tpu.memory_space<hbm>> -> memref<200x64xf32, #tpu.memory_space<hbm>>
        tpu.wait_dma2 semaphore(%arg15 : memref<!tpu.dma_semaphore, #tpu.memory_space<semaphore_mem>>) src(%arg7 : memref<200x64xf32, #tpu.memory_space<vmem>>) dst(%dma_wait3A_199 : memref<200x64xf32, #tpu.memory_space<hbm>>)
      } else {
      }
      %add3A_126 = arith.constant 4 : i32
      %add3A_127 = arith.addi %add3A_114, %add3A_126 : i32
      %sub3A_128 = arith.constant 1 : i32
      %sub3A_129 = arith.subi %add3A_127, %sub3A_128 : i32
      %lt3A_130 = arith.constant 128 : i32
      %lt3A_131 = arith.cmpi slt, %sub3A_129, %lt3A_130 : i32
      %convert_element_type3A_132 = arith.extui %lt3A_131 : i1 to i32
      %cond3A_133 = arith.constant 0 : i32
      %cond3A_134 = arith.cmpi ne, %convert_element_type3A_132, %cond3A_133 : i32
      scf.if %cond3A_134 {
        %add3A_189 = arith.constant 4 : i32
        %add3A_190 = arith.addi %add3A_114, %add3A_189 : i32
        %sub3A_191 = arith.constant 1 : i32
        %sub3A_192 = arith.subi %add3A_190, %sub3A_191 : i32
        %dma_start3A_193 = arith.constant 0 : i32
        %dma_start3A_194 = tpu.memref_slice %arg5[%sub3A_192, %dma_start3A_193] : memref<128x200xi32, #tpu.memory_space<vmem>> -> memref<1x200xi32, #tpu.memory_space<vmem>>
        %dma_start3A_195 = tpu.memref_squeeze %dma_start3A_194 : memref<1x200xi32, #tpu.memory_space<vmem>> -> memref<200xi32, #tpu.memory_space<vmem>>
        %dma_start3A_196 = arith.constant 0 : i32
        %dma_start3A_197 = arith.constant 0 : i32
        %dma_start3A_198 = tpu.memref_slice %arg3[%dma_start3A_196, %dma_start3A_197] : memref<1000000x64xf32, #tpu.memory_space<hbm>> -> memref<1000000x64xf32, #tpu.memory_space<hbm>>
        tpu.enqueue_indirect_dma source(%dma_start3A_198 : memref<1000000x64xf32, #tpu.memory_space<hbm>>) target(%arg7 : memref<200x64xf32, #tpu.memory_space<vmem>>) offsets(%dma_start3A_195 : memref<200xi32, #tpu.memory_space<vmem>>) semaphore(%arg11 : memref<!tpu.dma_semaphore, #tpu.memory_space<semaphore_mem>>)
      } else {
      }
      %scan3A_135 = arith.constant 0 : i32
      %scan3A_136 = arith.constant 0 : i32
      %scan3A_137 = arith.constant 200 : i32
      %scan3A_138 = arith.addi %scan3A_136, %scan3A_137 : i32
      %scan3A_139 = arith.constant 4 : i32
      scf.for %scan3A_189 = %scan3A_136 to %scan3A_138 step %scan3A_139  : i32 {
        %get3A = arith.index_cast %scan3A_189 : i32 to index
        %get3A_190 = arith.constant 0 : index
        %get3A_191 = tpu.vector_load %arg8[%get3A, %get3A_190] {strides = array<i32>} : memref<200x64xf32, #tpu.memory_space<vmem>>, vector<1x16xf32>,
        %get3A_192 = vector.shape_cast %get3A_191 : vector<1x16xf32> to vector<16xf32>
        %mul3A_193 = arith.constant 8.000000e+00 : f32
        %mul3A_194 = vector.broadcast %mul3A_193 : f32 to vector<16xf32>
        %mul3A_195 = arith.mulf %get3A_192, %mul3A_194 : vector<16xf32>
        %swap3A = arith.index_cast %scan3A_189 : i32 to index
        %swap3A_196 = arith.constant 0 : index
        %swap3A_197 = tpu.vector_load %arg8[%swap3A, %swap3A_196] {strides = array<i32>} : memref<200x64xf32, #tpu.memory_space<vmem>>, vector<1x16xf32>,
        %swap3A_198 = vector.shape_cast %swap3A_197 : vector<1x16xf32> to vector<16xf32>
        %swap3A_199 = vector.shape_cast %mul3A_195 : vector<16xf32> to vector<1x16xf32>
        tpu.vector_store %arg8[%swap3A, %swap3A_196], %swap3A_199 {strides = array<i32>} : memref<200x64xf32, #tpu.memory_space<vmem>>, vector<1x16xf32>,
        %get3A_200 = arith.index_cast %scan3A_189 : i32 to index
        %get3A_201 = arith.constant 16 : index
        %get3A_202 = tpu.vector_load %arg8[%get3A_200, %get3A_201] {strides = array<i32>} : memref<200x64xf32, #tpu.memory_space<vmem>>, vector<1x16xf32>,
        %get3A_203 = vector.shape_cast %get3A_202 : vector<1x16xf32> to vector<16xf32>
        %mul3A_204 = arith.constant 8.000000e+00 : f32
        %mul3A_205 = vector.broadcast %mul3A_204 : f32 to vector<16xf32>
        %mul3A_206 = arith.mulf %get3A_203, %mul3A_205 : vector<16xf32>
        %swap3A_207 = arith.index_cast %scan3A_189 : i32 to index
        %swap3A_208 = arith.constant 16 : index
        %swap3A_209 = tpu.vector_load %arg8[%swap3A_207, %swap3A_208] {strides = array<i32>} : memref<200x64xf32, #tpu.memory_space<vmem>>, vector<1x16xf32>,
        %swap3A_210 = vector.shape_cast %swap3A_209 : vector<1x16xf32> to vector<16xf32>
        %swap3A_211 = vector.shape_cast %mul3A_206 : vector<16xf32> to vector<1x16xf32>
        tpu.vector_store %arg8[%swap3A_207, %swap3A_208], %swap3A_211 {strides = array<i32>} : memref<200x64xf32, #tpu.memory_space<vmem>>, vector<1x16xf32>,
        %get3A_212 = arith.index_cast %scan3A_189 : i32 to index
        %get3A_213 = arith.constant 32 : index
        %get3A_214 = tpu.vector_load %arg8[%get3A_212, %get3A_213] {strides = array<i32>} : memref<200x64xf32, #tpu.memory_space<vmem>>, vector<1x16xf32>,
        %get3A_215 = vector.shape_cast %get3A_214 : vector<1x16xf32> to vector<16xf32>
        %mul3A_216 = arith.constant 8.000000e+00 : f32
        %mul3A_217 = vector.broadcast %mul3A_216 : f32 to vector<16xf32>
        %mul3A_218 = arith.mulf %get3A_215, %mul3A_217 : vector<16xf32>
        %swap3A_219 = arith.index_cast %scan3A_189 : i32 to index
        %swap3A_220 = arith.constant 32 : index
        %swap3A_221 = tpu.vector_load %arg8[%swap3A_219, %swap3A_220] {strides = array<i32>} : memref<200x64xf32, #tpu.memory_space<vmem>>, vector<1x16xf32>,
        %swap3A_222 = vector.shape_cast %swap3A_221 : vector<1x16xf32> to vector<16xf32>
        %swap3A_223 = vector.shape_cast %mul3A_218 : vector<16xf32> to vector<1x16xf32>
        tpu.vector_store %arg8[%swap3A_219, %swap3A_220], %swap3A_223 {strides = array<i32>} : memref<200x64xf32, #tpu.memory_space<vmem>>, vector<1x16xf32>,
        %get3A_224 = arith.index_cast %scan3A_189 : i32 to index
        %get3A_225 = arith.constant 48 : index
        %get3A_226 = tpu.vector_load %arg8[%get3A_224, %get3A_225] {strides = array<i32>} : memref<200x64xf32, #tpu.memory_space<vmem>>, vector<1x16xf32>,
        %get3A_227 = vector.shape_cast %get3A_226 : vector<1x16xf32> to vector<16xf32>
        %mul3A_228 = arith.constant 8.000000e+00 : f32
        %mul3A_229 = vector.broadcast %mul3A_228 : f32 to vector<16xf32>
        %mul3A_230 = arith.mulf %get3A_227, %mul3A_229 : vector<16xf32>
        %swap3A_231 = arith.index_cast %scan3A_189 : i32 to index
        %swap3A_232 = arith.constant 48 : index
        %swap3A_233 = tpu.vector_load %arg8[%swap3A_231, %swap3A_232] {strides = array<i32>} : memref<200x64xf32, #tpu.memory_space<vmem>>, vector<1x16xf32>,
        %swap3A_234 = vector.shape_cast %swap3A_233 : vector<1x16xf32> to vector<16xf32>
        %swap3A_235 = vector.shape_cast %mul3A_230 : vector<16xf32> to vector<1x16xf32>
        tpu.vector_store %arg8[%swap3A_231, %swap3A_232], %swap3A_235 {strides = array<i32>} : memref<200x64xf32, #tpu.memory_space<vmem>>, vector<1x16xf32>,
        %scan3A_236 = arith.constant 1 : i32
        %scan3A_237 = arith.addi %scan3A_189, %scan3A_236 : i32
        %get3A_238 = arith.index_cast %scan3A_237 : i32 to index
        %get3A_239 = arith.constant 0 : index
        %get3A_240 = tpu.vector_load %arg8[%get3A_238, %get3A_239] {strides = array<i32>} : memref<200x64xf32, #tpu.memory_space<vmem>>, vector<1x16xf32>,
        %get3A_241 = vector.shape_cast %get3A_240 : vector<1x16xf32> to vector<16xf32>
        %mul3A_242 = arith.constant 8.000000e+00 : f32
        %mul3A_243 = vector.broadcast %mul3A_242 : f32 to vector<16xf32>
        %mul3A_244 = arith.mulf %get3A_241, %mul3A_243 : vector<16xf32>
        %swap3A_245 = arith.index_cast %scan3A_237 : i32 to index
        %swap3A_246 = arith.constant 0 : index
        %swap3A_247 = tpu.vector_load %arg8[%swap3A_245, %swap3A_246] {strides = array<i32>} : memref<200x64xf32, #tpu.memory_space<vmem>>, vector<1x16xf32>,
        %swap3A_248 = vector.shape_cast %swap3A_247 : vector<1x16xf32> to vector<16xf32>
        %swap3A_249 = vector.shape_cast %mul3A_244 : vector<16xf32> to vector<1x16xf32>
        tpu.vector_store %arg8[%swap3A_245, %swap3A_246], %swap3A_249 {strides = array<i32>} : memref<200x64xf32, #tpu.memory_space<vmem>>, vector<1x16xf32>,
        %get3A_250 = arith.index_cast %scan3A_237 : i32 to index
        %get3A_251 = arith.constant 16 : index
        %get3A_252 = tpu.vector_load %arg8[%get3A_250, %get3A_251] {strides = array<i32>} : memref<200x64xf32, #tpu.memory_space<vmem>>, vector<1x16xf32>,
        %get3A_253 = vector.shape_cast %get3A_252 : vector<1x16xf32> to vector<16xf32>
        %mul3A_254 = arith.constant 8.000000e+00 : f32
        %mul3A_255 = vector.broadcast %mul3A_254 : f32 to vector<16xf32>
        %mul3A_256 = arith.mulf %get3A_253, %mul3A_255 : vector<16xf32>
        %swap3A_257 = arith.index_cast %scan3A_237 : i32 to index
        %swap3A_258 = arith.constant 16 : index
        %swap3A_259 = tpu.vector_load %arg8[%swap3A_257, %swap3A_258] {strides = array<i32>} : memref<200x64xf32, #tpu.memory_space<vmem>>, vector<1x16xf32>,
        %swap3A_260 = vector.shape_cast %swap3A_259 : vector<1x16xf32> to vector<16xf32>
        %swap3A_261 = vector.shape_cast %mul3A_256 : vector<16xf32> to vector<1x16xf32>
        tpu.vector_store %arg8[%swap3A_257, %swap3A_258], %swap3A_261 {strides = array<i32>} : memref<200x64xf32, #tpu.memory_space<vmem>>, vector<1x16xf32>,
        %get3A_262 = arith.index_cast %scan3A_237 : i32 to index
        %get3A_263 = arith.constant 32 : index
        %get3A_264 = tpu.vector_load %arg8[%get3A_262, %get3A_263] {strides = array<i32>} : memref<200x64xf32, #tpu.memory_space<vmem>>, vector<1x16xf32>,
        %get3A_265 = vector.shape_cast %get3A_264 : vector<1x16xf32> to vector<16xf32>
        %mul3A_266 = arith.constant 8.000000e+00 : f32
        %mul3A_267 = vector.broadcast %mul3A_266 : f32 to vector<16xf32>
        %mul3A_268 = arith.mulf %get3A_265, %mul3A_267 : vector<16xf32>
        %swap3A_269 = arith.index_cast %scan3A_237 : i32 to index
        %swap3A_270 = arith.constant 32 : index
        %swap3A_271 = tpu.vector_load %arg8[%swap3A_269, %swap3A_270] {strides = array<i32>} : memref<200x64xf32, #tpu.memory_space<vmem>>, vector<1x16xf32>,
        %swap3A_272 = vector.shape_cast %swap3A_271 : vector<1x16xf32> to vector<16xf32>
        %swap3A_273 = vector.shape_cast %mul3A_268 : vector<16xf32> to vector<1x16xf32>
        tpu.vector_store %arg8[%swap3A_269, %swap3A_270], %swap3A_273 {strides = array<i32>} : memref<200x64xf32, #tpu.memory_space<vmem>>, vector<1x16xf32>,
        %get3A_274 = arith.index_cast %scan3A_237 : i32 to index
        %get3A_275 = arith.constant 48 : index
        %get3A_276 = tpu.vector_load %arg8[%get3A_274, %get3A_275] {strides = array<i32>} : memref<200x64xf32, #tpu.memory_space<vmem>>, vector<1x16xf32>,
        %get3A_277 = vector.shape_cast %get3A_276 : vector<1x16xf32> to vector<16xf32>
        %mul3A_278 = arith.constant 8.000000e+00 : f32
        %mul3A_279 = vector.broadcast %mul3A_278 : f32 to vector<16xf32>
        %mul3A_280 = arith.mulf %get3A_277, %mul3A_279 : vector<16xf32>
        %swap3A_281 = arith.index_cast %scan3A_237 : i32 to index
        %swap3A_282 = arith.constant 48 : index
        %swap3A_283 = tpu.vector_load %arg8[%swap3A_281, %swap3A_282] {strides = array<i32>} : memref<200x64xf32, #tpu.memory_space<vmem>>, vector<1x16xf32>,
        %swap3A_284 = vector.shape_cast %swap3A_283 : vector<1x16xf32> to vector<16xf32>
        %swap3A_285 = vector.shape_cast %mul3A_280 : vector<16xf32> to vector<1x16xf32>
        tpu.vector_store %arg8[%swap3A_281, %swap3A_282], %swap3A_285 {strides = array<i32>} : memref<200x64xf32, #tpu.memory_space<vmem>>, vector<1x16xf32>,
        %scan3A_286 = arith.constant 2 : i32
        %scan3A_287 = arith.addi %scan3A_189, %scan3A_286 : i32
        %get3A_288 = arith.index_cast %scan3A_287 : i32 to index
        %get3A_289 = arith.constant 0 : index
        %get3A_290 = tpu.vector_load %arg8[%get3A_288, %get3A_289] {strides = array<i32>} : memref<200x64xf32, #tpu.memory_space<vmem>>, vector<1x16xf32>,
        %get3A_291 = vector.shape_cast %get3A_290 : vector<1x16xf32> to vector<16xf32>
        %mul3A_292 = arith.constant 8.000000e+00 : f32
        %mul3A_293 = vector.broadcast %mul3A_292 : f32 to vector<16xf32>
        %mul3A_294 = arith.mulf %get3A_291, %mul3A_293 : vector<16xf32>
        %swap3A_295 = arith.index_cast %scan3A_287 : i32 to index
        %swap3A_296 = arith.constant 0 : index
        %swap3A_297 = tpu.vector_load %arg8[%swap3A_295, %swap3A_296] {strides = array<i32>} : memref<200x64xf32, #tpu.memory_space<vmem>>, vector<1x16xf32>,
        %swap3A_298 = vector.shape_cast %swap3A_297 : vector<1x16xf32> to vector<16xf32>
        %swap3A_299 = vector.shape_cast %mul3A_294 : vector<16xf32> to vector<1x16xf32>
        tpu.vector_store %arg8[%swap3A_295, %swap3A_296], %swap3A_299 {strides = array<i32>} : memref<200x64xf32, #tpu.memory_space<vmem>>, vector<1x16xf32>,
        %get3A_300 = arith.index_cast %scan3A_287 : i32 to index
        %get3A_301 = arith.constant 16 : index
        %get3A_302 = tpu.vector_load %arg8[%get3A_300, %get3A_301] {strides = array<i32>} : memref<200x64xf32, #tpu.memory_space<vmem>>, vector<1x16xf32>,
        %get3A_303 = vector.shape_cast %get3A_302 : vector<1x16xf32> to vector<16xf32>
        %mul3A_304 = arith.constant 8.000000e+00 : f32
        %mul3A_305 = vector.broadcast %mul3A_304 : f32 to vector<16xf32>
        %mul3A_306 = arith.mulf %get3A_303, %mul3A_305 : vector<16xf32>
        %swap3A_307 = arith.index_cast %scan3A_287 : i32 to index
        %swap3A_308 = arith.constant 16 : index
        %swap3A_309 = tpu.vector_load %arg8[%swap3A_307, %swap3A_308] {strides = array<i32>} : memref<200x64xf32, #tpu.memory_space<vmem>>, vector<1x16xf32>,
        %swap3A_310 = vector.shape_cast %swap3A_309 : vector<1x16xf32> to vector<16xf32>
        %swap3A_311 = vector.shape_cast %mul3A_306 : vector<16xf32> to vector<1x16xf32>
        tpu.vector_store %arg8[%swap3A_307, %swap3A_308], %swap3A_311 {strides = array<i32>} : memref<200x64xf32, #tpu.memory_space<vmem>>, vector<1x16xf32>,
        %get3A_312 = arith.index_cast %scan3A_287 : i32 to index
        %get3A_313 = arith.constant 32 : index
        %get3A_314 = tpu.vector_load %arg8[%get3A_312, %get3A_313] {strides = array<i32>} : memref<200x64xf32, #tpu.memory_space<vmem>>, vector<1x16xf32>,
        %get3A_315 = vector.shape_cast %get3A_314 : vector<1x16xf32> to vector<16xf32>
        %mul3A_316 = arith.constant 8.000000e+00 : f32
        %mul3A_317 = vector.broadcast %mul3A_316 : f32 to vector<16xf32>
        %mul3A_318 = arith.mulf %get3A_315, %mul3A_317 : vector<16xf32>
        %swap3A_319 = arith.index_cast %scan3A_287 : i32 to index
        %swap3A_320 = arith.constant 32 : index
        %swap3A_321 = tpu.vector_load %arg8[%swap3A_319, %swap3A_320] {strides = array<i32>} : memref<200x64xf32, #tpu.memory_space<vmem>>, vector<1x16xf32>,
        %swap3A_322 = vector.shape_cast %swap3A_321 : vector<1x16xf32> to vector<16xf32>
        %swap3A_323 = vector.shape_cast %mul3A_318 : vector<16xf32> to vector<1x16xf32>
        tpu.vector_store %arg8[%swap3A_319, %swap3A_320], %swap3A_323 {strides = array<i32>} : memref<200x64xf32, #tpu.memory_space<vmem>>, vector<1x16xf32>,
        %get3A_324 = arith.index_cast %scan3A_287 : i32 to index
        %get3A_325 = arith.constant 48 : index
        %get3A_326 = tpu.vector_load %arg8[%get3A_324, %get3A_325] {strides = array<i32>} : memref<200x64xf32, #tpu.memory_space<vmem>>, vector<1x16xf32>,
        %get3A_327 = vector.shape_cast %get3A_326 : vector<1x16xf32> to vector<16xf32>
        %mul3A_328 = arith.constant 8.000000e+00 : f32
        %mul3A_329 = vector.broadcast %mul3A_328 : f32 to vector<16xf32>
        %mul3A_330 = arith.mulf %get3A_327, %mul3A_329 : vector<16xf32>
        %swap3A_331 = arith.index_cast %scan3A_287 : i32 to index
        %swap3A_332 = arith.constant 48 : index
        %swap3A_333 = tpu.vector_load %arg8[%swap3A_331, %swap3A_332] {strides = array<i32>} : memref<200x64xf32, #tpu.memory_space<vmem>>, vector<1x16xf32>,
        %swap3A_334 = vector.shape_cast %swap3A_333 : vector<1x16xf32> to vector<16xf32>
        %swap3A_335 = vector.shape_cast %mul3A_330 : vector<16xf32> to vector<1x16xf32>
        tpu.vector_store %arg8[%swap3A_331, %swap3A_332], %swap3A_335 {strides = array<i32>} : memref<200x64xf32, #tpu.memory_space<vmem>>, vector<1x16xf32>,
        %scan3A_336 = arith.constant 3 : i32
        %scan3A_337 = arith.addi %scan3A_189, %scan3A_336 : i32
        %get3A_338 = arith.index_cast %scan3A_337 : i32 to index
        %get3A_339 = arith.constant 0 : index
        %get3A_340 = tpu.vector_load %arg8[%get3A_338, %get3A_339] {strides = array<i32>} : memref<200x64xf32, #tpu.memory_space<vmem>>, vector<1x16xf32>,
        %get3A_341 = vector.shape_cast %get3A_340 : vector<1x16xf32> to vector<16xf32>
        %mul3A_342 = arith.constant 8.000000e+00 : f32
        %mul3A_343 = vector.broadcast %mul3A_342 : f32 to vector<16xf32>
        %mul3A_344 = arith.mulf %get3A_341, %mul3A_343 : vector<16xf32>
        %swap3A_345 = arith.index_cast %scan3A_337 : i32 to index
        %swap3A_346 = arith.constant 0 : index
        %swap3A_347 = tpu.vector_load %arg8[%swap3A_345, %swap3A_346] {strides = array<i32>} : memref<200x64xf32, #tpu.memory_space<vmem>>, vector<1x16xf32>,
        %swap3A_348 = vector.shape_cast %swap3A_347 : vector<1x16xf32> to vector<16xf32>
        %swap3A_349 = vector.shape_cast %mul3A_344 : vector<16xf32> to vector<1x16xf32>
        tpu.vector_store %arg8[%swap3A_345, %swap3A_346], %swap3A_349 {strides = array<i32>} : memref<200x64xf32, #tpu.memory_space<vmem>>, vector<1x16xf32>,
        %get3A_350 = arith.index_cast %scan3A_337 : i32 to index
        %get3A_351 = arith.constant 16 : index
        %get3A_352 = tpu.vector_load %arg8[%get3A_350, %get3A_351] {strides = array<i32>} : memref<200x64xf32, #tpu.memory_space<vmem>>, vector<1x16xf32>,
        %get3A_353 = vector.shape_cast %get3A_352 : vector<1x16xf32> to vector<16xf32>
        %mul3A_354 = arith.constant 8.000000e+00 : f32
        %mul3A_355 = vector.broadcast %mul3A_354 : f32 to vector<16xf32>
        %mul3A_356 = arith.mulf %get3A_353, %mul3A_355 : vector<16xf32>
        %swap3A_357 = arith.index_cast %scan3A_337 : i32 to index
        %swap3A_358 = arith.constant 16 : index
        %swap3A_359 = tpu.vector_load %arg8[%swap3A_357, %swap3A_358] {strides = array<i32>} : memref<200x64xf32, #tpu.memory_space<vmem>>, vector<1x16xf32>,
        %swap3A_360 = vector.shape_cast %swap3A_359 : vector<1x16xf32> to vector<16xf32>
        %swap3A_361 = vector.shape_cast %mul3A_356 : vector<16xf32> to vector<1x16xf32>
        tpu.vector_store %arg8[%swap3A_357, %swap3A_358], %swap3A_361 {strides = array<i32>} : memref<200x64xf32, #tpu.memory_space<vmem>>, vector<1x16xf32>,
        %get3A_362 = arith.index_cast %scan3A_337 : i32 to index
        %get3A_363 = arith.constant 32 : index
        %get3A_364 = tpu.vector_load %arg8[%get3A_362, %get3A_363] {strides = array<i32>} : memref<200x64xf32, #tpu.memory_space<vmem>>, vector<1x16xf32>,
        %get3A_365 = vector.shape_cast %get3A_364 : vector<1x16xf32> to vector<16xf32>
        %mul3A_366 = arith.constant 8.000000e+00 : f32
        %mul3A_367 = vector.broadcast %mul3A_366 : f32 to vector<16xf32>
        %mul3A_368 = arith.mulf %get3A_365, %mul3A_367 : vector<16xf32>
        %swap3A_369 = arith.index_cast %scan3A_337 : i32 to index
        %swap3A_370 = arith.constant 32 : index
        %swap3A_371 = tpu.vector_load %arg8[%swap3A_369, %swap3A_370] {strides = array<i32>} : memref<200x64xf32, #tpu.memory_space<vmem>>, vector<1x16xf32>,
        %swap3A_372 = vector.shape_cast %swap3A_371 : vector<1x16xf32> to vector<16xf32>
        %swap3A_373 = vector.shape_cast %mul3A_368 : vector<16xf32> to vector<1x16xf32>
        tpu.vector_store %arg8[%swap3A_369, %swap3A_370], %swap3A_373 {strides = array<i32>} : memref<200x64xf32, #tpu.memory_space<vmem>>, vector<1x16xf32>,
        %get3A_374 = arith.index_cast %scan3A_337 : i32 to index
        %get3A_375 = arith.constant 48 : index
        %get3A_376 = tpu.vector_load %arg8[%get3A_374, %get3A_375] {strides = array<i32>} : memref<200x64xf32, #tpu.memory_space<vmem>>, vector<1x16xf32>,
        %get3A_377 = vector.shape_cast %get3A_376 : vector<1x16xf32> to vector<16xf32>
        %mul3A_378 = arith.constant 8.000000e+00 : f32
        %mul3A_379 = vector.broadcast %mul3A_378 : f32 to vector<16xf32>
        %mul3A_380 = arith.mulf %get3A_377, %mul3A_379 : vector<16xf32>
        %swap3A_381 = arith.index_cast %scan3A_337 : i32 to index
        %swap3A_382 = arith.constant 48 : index
        %swap3A_383 = tpu.vector_load %arg8[%swap3A_381, %swap3A_382] {strides = array<i32>} : memref<200x64xf32, #tpu.memory_space<vmem>>, vector<1x16xf32>,
        %swap3A_384 = vector.shape_cast %swap3A_383 : vector<1x16xf32> to vector<16xf32>
        %swap3A_385 = vector.shape_cast %mul3A_380 : vector<16xf32> to vector<1x16xf32>
        tpu.vector_store %arg8[%swap3A_381, %swap3A_382], %swap3A_385 {strides = array<i32>} : memref<200x64xf32, #tpu.memory_space<vmem>>, vector<1x16xf32>,
      }
      %scan3A_140 = arith.constant 200 : i32
      %add3A_141 = arith.addi %mul3A_2, %add3A_114 : i32
      %dma_start3A_142 = arith.constant 0 : i32
      %dma_start3A_143 = arith.constant 0 : i32
      %dma_start3A_144 = tpu.memref_slice %arg4[%add3A_141, %dma_start3A_142, %dma_start3A_143] : memref<4096x200x64xf32, #tpu.memory_space<hbm>> -> memref<1x200x64xf32, #tpu.memory_space<hbm>>
      %dma_start3A_145 = tpu.memref_squeeze %dma_start3A_144 : memref<1x200x64xf32, #tpu.memory_space<hbm>> -> memref<200x64xf32, #tpu.memory_space<hbm>>
      %dma_start3A_146 = arith.constant 0 : i32
      %dma_start3A_147 = arith.constant 0 : i32
      %dma_start3A_148 = tpu.memref_slice %arg4[%add3A_141, %dma_start3A_146, %dma_start3A_147] : memref<4096x200x64xf32, #tpu.memory_space<hbm>> -> memref<1x200x64xf32, #tpu.memory_space<hbm>>
      %dma_start3A_149 = tpu.memref_squeeze %dma_start3A_148 : memref<1x200x64xf32, #tpu.memory_space<hbm>> -> memref<200x64xf32, #tpu.memory_space<hbm>>
      tpu.enqueue_dma source(%arg8 : memref<200x64xf32, #tpu.memory_space<vmem>>) target(%dma_start3A_149 : memref<200x64xf32, #tpu.memory_space<hbm>>) target_semaphore(%arg16 : memref<!tpu.dma_semaphore, #tpu.memory_space<semaphore_mem>>)
      %mul3A_150 = arith.constant 4 : i32
      %mul3A_151 = arith.muli %scan3A_37, %mul3A_150 : i32
      %add3A_152 = arith.constant 3 : i32
      %add3A_153 = arith.addi %mul3A_151, %add3A_152 : i32
      %dma_wait3A_154 = arith.constant 0 : i32
      %dma_wait3A_155 = tpu.memref_slice %arg5[%add3A_153, %dma_wait3A_154] : memref<128x200xi32, #tpu.memory_space<vmem>> -> memref<1x200xi32, #tpu.memory_space<vmem>>
      %dma_wait3A_156 = tpu.memref_squeeze %dma_wait3A_155 : memref<1x200xi32, #tpu.memory_space<vmem>> -> memref<200xi32, #tpu.memory_space<vmem>>
      %dma_wait3A_157 = arith.constant 0 : i32
      %dma_wait3A_158 = arith.constant 0 : i32
      %dma_wait3A_159 = tpu.memref_slice %arg3[%dma_wait3A_157, %dma_wait3A_158] : memref<1000000x64xf32, #tpu.memory_space<hbm>> -> memref<1000000x64xf32, #tpu.memory_space<hbm>>
      tpu.wait_indirect_dma semaphore(%arg13 : memref<!tpu.dma_semaphore, #tpu.memory_space<semaphore_mem>>) src(%dma_wait3A_159 : memref<1000000x64xf32, #tpu.memory_space<hbm>>) dst(%arg9 : memref<200x64xf32, #tpu.memory_space<vmem>>)
      %ge3A_160 = arith.constant 1 : i32
      %ge3A_161 = arith.cmpi sge, %add3A_153, %ge3A_160 : i32
      %convert_element_type3A_162 = arith.extui %ge3A_161 : i1 to i32
      %cond3A_163 = arith.constant 0 : i32
      %cond3A_164 = arith.cmpi ne, %convert_element_type3A_162, %cond3A_163 : i32
      scf.if %cond3A_164 {
        %sub3A_189 = arith.constant 1 : i32
        %sub3A_190 = arith.subi %add3A_153, %sub3A_189 : i32
        %add3A_191 = arith.addi %mul3A_2, %sub3A_190 : i32
        %dma_wait3A_192 = arith.constant 0 : i32
        %dma_wait3A_193 = arith.constant 0 : i32
        %dma_wait3A_194 = tpu.memref_slice %arg4[%add3A_191, %dma_wait3A_192, %dma_wait3A_193] : memref<4096x200x64xf32, #tpu.memory_space<hbm>> -> memref<1x200x64xf32, #tpu.memory_space<hbm>>
        %dma_wait3A_195 = tpu.memref_squeeze %dma_wait3A_194 : memref<1x200x64xf32, #tpu.memory_space<hbm>> -> memref<200x64xf32, #tpu.memory_space<hbm>>
        %dma_wait3A_196 = arith.constant 0 : i32
        %dma_wait3A_197 = arith.constant 0 : i32
        %dma_wait3A_198 = tpu.memref_slice %arg4[%add3A_191, %dma_wait3A_196, %dma_wait3A_197] : memref<4096x200x64xf32, #tpu.memory_space<hbm>> -> memref<1x200x64xf32, #tpu.memory_space<hbm>>
        %dma_wait3A_199 = tpu.memref_squeeze %dma_wait3A_198 : memref<1x200x64xf32, #tpu.memory_space<hbm>> -> memref<200x64xf32, #tpu.memory_space<hbm>>
        tpu.wait_dma2 semaphore(%arg16 : memref<!tpu.dma_semaphore, #tpu.memory_space<semaphore_mem>>) src(%arg8 : memref<200x64xf32, #tpu.memory_space<vmem>>) dst(%dma_wait3A_199 : memref<200x64xf32, #tpu.memory_space<hbm>>)
      } else {
      }
      %add3A_165 = arith.constant 4 : i32
      %add3A_166 = arith.addi %add3A_153, %add3A_165 : i32
      %sub3A_167 = arith.constant 1 : i32
      %sub3A_168 = arith.subi %add3A_166, %sub3A_167 : i32
      %lt3A_169 = arith.constant 128 : i32
      %lt3A_170 = arith.cmpi slt, %sub3A_168, %lt3A_169 : i32
      %convert_element_type3A_171 = arith.extui %lt3A_170 : i1 to i32
      %cond3A_172 = arith.constant 0 : i32
      %cond3A_173 = arith.cmpi ne, %convert_element_type3A_171, %cond3A_172 : i32
      scf.if %cond3A_173 {
        %add3A_189 = arith.constant 4 : i32
        %add3A_190 = arith.addi %add3A_153, %add3A_189 : i32
        %sub3A_191 = arith.constant 1 : i32
        %sub3A_192 = arith.subi %add3A_190, %sub3A_191 : i32
        %dma_start3A_193 = arith.constant 0 : i32
        %dma_start3A_194 = tpu.memref_slice %arg5[%sub3A_192, %dma_start3A_193] : memref<128x200xi32, #tpu.memory_space<vmem>> -> memref<1x200xi32, #tpu.memory_space<vmem>>
        %dma_start3A_195 = tpu.memref_squeeze %dma_start3A_194 : memref<1x200xi32, #tpu.memory_space<vmem>> -> memref<200xi32, #tpu.memory_space<vmem>>
        %dma_start3A_196 = arith.constant 0 : i32
        %dma_start3A_197 = arith.constant 0 : i32
        %dma_start3A_198 = tpu.memref_slice %arg3[%dma_start3A_196, %dma_start3A_197] : memref<1000000x64xf32, #tpu.memory_space<hbm>> -> memref<1000000x64xf32, #tpu.memory_space<hbm>>
        tpu.enqueue_indirect_dma source(%dma_start3A_198 : memref<1000000x64xf32, #tpu.memory_space<hbm>>) target(%arg8 : memref<200x64xf32, #tpu.memory_space<vmem>>) offsets(%dma_start3A_195 : memref<200xi32, #tpu.memory_space<vmem>>) semaphore(%arg12 : memref<!tpu.dma_semaphore, #tpu.memory_space<semaphore_mem>>)
      } else {
      }
      %scan3A_174 = arith.constant 0 : i32
      %scan3A_175 = arith.constant 0 : i32
      %scan3A_176 = arith.constant 200 : i32
      %scan3A_177 = arith.addi %scan3A_175, %scan3A_176 : i32
      %scan3A_178 = arith.constant 4 : i32
      scf.for %scan3A_189 = %scan3A_175 to %scan3A_177 step %scan3A_178  : i32 {
        %get3A = arith.index_cast %scan3A_189 : i32 to index
        %get3A_190 = arith.constant 0 : index
        %get3A_191 = tpu.vector_load %arg9[%get3A, %get3A_190] {strides = array<i32>} : memref<200x64xf32, #tpu.memory_space<vmem>>, vector<1x16xf32>,
        %get3A_192 = vector.shape_cast %get3A_191 : vector<1x16xf32> to vector<16xf32>
        %mul3A_193 = arith.constant 8.000000e+00 : f32
        %mul3A_194 = vector.broadcast %mul3A_193 : f32 to vector<16xf32>
        %mul3A_195 = arith.mulf %get3A_192, %mul3A_194 : vector<16xf32>
        %swap3A = arith.index_cast %scan3A_189 : i32 to index
        %swap3A_196 = arith.constant 0 : index
        %swap3A_197 = tpu.vector_load %arg9[%swap3A, %swap3A_196] {strides = array<i32>} : memref<200x64xf32, #tpu.memory_space<vmem>>, vector<1x16xf32>,
        %swap3A_198 = vector.shape_cast %swap3A_197 : vector<1x16xf32> to vector<16xf32>
        %swap3A_199 = vector.shape_cast %mul3A_195 : vector<16xf32> to vector<1x16xf32>
        tpu.vector_store %arg9[%swap3A, %swap3A_196], %swap3A_199 {strides = array<i32>} : memref<200x64xf32, #tpu.memory_space<vmem>>, vector<1x16xf32>,
        %get3A_200 = arith.index_cast %scan3A_189 : i32 to index
        %get3A_201 = arith.constant 16 : index
        %get3A_202 = tpu.vector_load %arg9[%get3A_200, %get3A_201] {strides = array<i32>} : memref<200x64xf32, #tpu.memory_space<vmem>>, vector<1x16xf32>,
        %get3A_203 = vector.shape_cast %get3A_202 : vector<1x16xf32> to vector<16xf32>
        %mul3A_204 = arith.constant 8.000000e+00 : f32
        %mul3A_205 = vector.broadcast %mul3A_204 : f32 to vector<16xf32>
        %mul3A_206 = arith.mulf %get3A_203, %mul3A_205 : vector<16xf32>
        %swap3A_207 = arith.index_cast %scan3A_189 : i32 to index
        %swap3A_208 = arith.constant 16 : index
        %swap3A_209 = tpu.vector_load %arg9[%swap3A_207, %swap3A_208] {strides = array<i32>} : memref<200x64xf32, #tpu.memory_space<vmem>>, vector<1x16xf32>,
        %swap3A_210 = vector.shape_cast %swap3A_209 : vector<1x16xf32> to vector<16xf32>
        %swap3A_211 = vector.shape_cast %mul3A_206 : vector<16xf32> to vector<1x16xf32>
        tpu.vector_store %arg9[%swap3A_207, %swap3A_208], %swap3A_211 {strides = array<i32>} : memref<200x64xf32, #tpu.memory_space<vmem>>, vector<1x16xf32>,
        %get3A_212 = arith.index_cast %scan3A_189 : i32 to index
        %get3A_213 = arith.constant 32 : index
        %get3A_214 = tpu.vector_load %arg9[%get3A_212, %get3A_213] {strides = array<i32>} : memref<200x64xf32, #tpu.memory_space<vmem>>, vector<1x16xf32>,
        %get3A_215 = vector.shape_cast %get3A_214 : vector<1x16xf32> to vector<16xf32>
        %mul3A_216 = arith.constant 8.000000e+00 : f32
        %mul3A_217 = vector.broadcast %mul3A_216 : f32 to vector<16xf32>
        %mul3A_218 = arith.mulf %get3A_215, %mul3A_217 : vector<16xf32>
        %swap3A_219 = arith.index_cast %scan3A_189 : i32 to index
        %swap3A_220 = arith.constant 32 : index
        %swap3A_221 = tpu.vector_load %arg9[%swap3A_219, %swap3A_220] {strides = array<i32>} : memref<200x64xf32, #tpu.memory_space<vmem>>, vector<1x16xf32>,
        %swap3A_222 = vector.shape_cast %swap3A_221 : vector<1x16xf32> to vector<16xf32>
        %swap3A_223 = vector.shape_cast %mul3A_218 : vector<16xf32> to vector<1x16xf32>
        tpu.vector_store %arg9[%swap3A_219, %swap3A_220], %swap3A_223 {strides = array<i32>} : memref<200x64xf32, #tpu.memory_space<vmem>>, vector<1x16xf32>,
        %get3A_224 = arith.index_cast %scan3A_189 : i32 to index
        %get3A_225 = arith.constant 48 : index
        %get3A_226 = tpu.vector_load %arg9[%get3A_224, %get3A_225] {strides = array<i32>} : memref<200x64xf32, #tpu.memory_space<vmem>>, vector<1x16xf32>,
        %get3A_227 = vector.shape_cast %get3A_226 : vector<1x16xf32> to vector<16xf32>
        %mul3A_228 = arith.constant 8.000000e+00 : f32
        %mul3A_229 = vector.broadcast %mul3A_228 : f32 to vector<16xf32>
        %mul3A_230 = arith.mulf %get3A_227, %mul3A_229 : vector<16xf32>
        %swap3A_231 = arith.index_cast %scan3A_189 : i32 to index
        %swap3A_232 = arith.constant 48 : index
        %swap3A_233 = tpu.vector_load %arg9[%swap3A_231, %swap3A_232] {strides = array<i32>} : memref<200x64xf32, #tpu.memory_space<vmem>>, vector<1x16xf32>,
        %swap3A_234 = vector.shape_cast %swap3A_233 : vector<1x16xf32> to vector<16xf32>
        %swap3A_235 = vector.shape_cast %mul3A_230 : vector<16xf32> to vector<1x16xf32>
        tpu.vector_store %arg9[%swap3A_231, %swap3A_232], %swap3A_235 {strides = array<i32>} : memref<200x64xf32, #tpu.memory_space<vmem>>, vector<1x16xf32>,
        %scan3A_236 = arith.constant 1 : i32
        %scan3A_237 = arith.addi %scan3A_189, %scan3A_236 : i32
        %get3A_238 = arith.index_cast %scan3A_237 : i32 to index
        %get3A_239 = arith.constant 0 : index
        %get3A_240 = tpu.vector_load %arg9[%get3A_238, %get3A_239] {strides = array<i32>} : memref<200x64xf32, #tpu.memory_space<vmem>>, vector<1x16xf32>,
        %get3A_241 = vector.shape_cast %get3A_240 : vector<1x16xf32> to vector<16xf32>
        %mul3A_242 = arith.constant 8.000000e+00 : f32
        %mul3A_243 = vector.broadcast %mul3A_242 : f32 to vector<16xf32>
        %mul3A_244 = arith.mulf %get3A_241, %mul3A_243 : vector<16xf32>
        %swap3A_245 = arith.index_cast %scan3A_237 : i32 to index
        %swap3A_246 = arith.constant 0 : index
        %swap3A_247 = tpu.vector_load %arg9[%swap3A_245, %swap3A_246] {strides = array<i32>} : memref<200x64xf32, #tpu.memory_space<vmem>>, vector<1x16xf32>,
        %swap3A_248 = vector.shape_cast %swap3A_247 : vector<1x16xf32> to vector<16xf32>
        %swap3A_249 = vector.shape_cast %mul3A_244 : vector<16xf32> to vector<1x16xf32>
        tpu.vector_store %arg9[%swap3A_245, %swap3A_246], %swap3A_249 {strides = array<i32>} : memref<200x64xf32, #tpu.memory_space<vmem>>, vector<1x16xf32>,
        %get3A_250 = arith.index_cast %scan3A_237 : i32 to index
        %get3A_251 = arith.constant 16 : index
        %get3A_252 = tpu.vector_load %arg9[%get3A_250, %get3A_251] {strides = array<i32>} : memref<200x64xf32, #tpu.memory_space<vmem>>, vector<1x16xf32>,
        %get3A_253 = vector.shape_cast %get3A_252 : vector<1x16xf32> to vector<16xf32>
        %mul3A_254 = arith.constant 8.000000e+00 : f32
        %mul3A_255 = vector.broadcast %mul3A_254 : f32 to vector<16xf32>
        %mul3A_256 = arith.mulf %get3A_253, %mul3A_255 : vector<16xf32>
        %swap3A_257 = arith.index_cast %scan3A_237 : i32 to index
        %swap3A_258 = arith.constant 16 : index
        %swap3A_259 = tpu.vector_load %arg9[%swap3A_257, %swap3A_258] {strides = array<i32>} : memref<200x64xf32, #tpu.memory_space<vmem>>, vector<1x16xf32>,
        %swap3A_260 = vector.shape_cast %swap3A_259 : vector<1x16xf32> to vector<16xf32>
        %swap3A_261 = vector.shape_cast %mul3A_256 : vector<16xf32> to vector<1x16xf32>
        tpu.vector_store %arg9[%swap3A_257, %swap3A_258], %swap3A_261 {strides = array<i32>} : memref<200x64xf32, #tpu.memory_space<vmem>>, vector<1x16xf32>,
        %get3A_262 = arith.index_cast %scan3A_237 : i32 to index
        %get3A_263 = arith.constant 32 : index
        %get3A_264 = tpu.vector_load %arg9[%get3A_262, %get3A_263] {strides = array<i32>} : memref<200x64xf32, #tpu.memory_space<vmem>>, vector<1x16xf32>,
        %get3A_265 = vector.shape_cast %get3A_264 : vector<1x16xf32> to vector<16xf32>
        %mul3A_266 = arith.constant 8.000000e+00 : f32
        %mul3A_267 = vector.broadcast %mul3A_266 : f32 to vector<16xf32>
        %mul3A_268 = arith.mulf %get3A_265, %mul3A_267 : vector<16xf32>
        %swap3A_269 = arith.index_cast %scan3A_237 : i32 to index
        %swap3A_270 = arith.constant 32 : index
        %swap3A_271 = tpu.vector_load %arg9[%swap3A_269, %swap3A_270] {strides = array<i32>} : memref<200x64xf32, #tpu.memory_space<vmem>>, vector<1x16xf32>,
        %swap3A_272 = vector.shape_cast %swap3A_271 : vector<1x16xf32> to vector<16xf32>
        %swap3A_273 = vector.shape_cast %mul3A_268 : vector<16xf32> to vector<1x16xf32>
        tpu.vector_store %arg9[%swap3A_269, %swap3A_270], %swap3A_273 {strides = array<i32>} : memref<200x64xf32, #tpu.memory_space<vmem>>, vector<1x16xf32>,
        %get3A_274 = arith.index_cast %scan3A_237 : i32 to index
        %get3A_275 = arith.constant 48 : index
        %get3A_276 = tpu.vector_load %arg9[%get3A_274, %get3A_275] {strides = array<i32>} : memref<200x64xf32, #tpu.memory_space<vmem>>, vector<1x16xf32>,
        %get3A_277 = vector.shape_cast %get3A_276 : vector<1x16xf32> to vector<16xf32>
        %mul3A_278 = arith.constant 8.000000e+00 : f32
        %mul3A_279 = vector.broadcast %mul3A_278 : f32 to vector<16xf32>
        %mul3A_280 = arith.mulf %get3A_277, %mul3A_279 : vector<16xf32>
        %swap3A_281 = arith.index_cast %scan3A_237 : i32 to index
        %swap3A_282 = arith.constant 48 : index
        %swap3A_283 = tpu.vector_load %arg9[%swap3A_281, %swap3A_282] {strides = array<i32>} : memref<200x64xf32, #tpu.memory_space<vmem>>, vector<1x16xf32>,
        %swap3A_284 = vector.shape_cast %swap3A_283 : vector<1x16xf32> to vector<16xf32>
        %swap3A_285 = vector.shape_cast %mul3A_280 : vector<16xf32> to vector<1x16xf32>
        tpu.vector_store %arg9[%swap3A_281, %swap3A_282], %swap3A_285 {strides = array<i32>} : memref<200x64xf32, #tpu.memory_space<vmem>>, vector<1x16xf32>,
        %scan3A_286 = arith.constant 2 : i32
        %scan3A_287 = arith.addi %scan3A_189, %scan3A_286 : i32
        %get3A_288 = arith.index_cast %scan3A_287 : i32 to index
        %get3A_289 = arith.constant 0 : index
        %get3A_290 = tpu.vector_load %arg9[%get3A_288, %get3A_289] {strides = array<i32>} : memref<200x64xf32, #tpu.memory_space<vmem>>, vector<1x16xf32>,
        %get3A_291 = vector.shape_cast %get3A_290 : vector<1x16xf32> to vector<16xf32>
        %mul3A_292 = arith.constant 8.000000e+00 : f32
        %mul3A_293 = vector.broadcast %mul3A_292 : f32 to vector<16xf32>
        %mul3A_294 = arith.mulf %get3A_291, %mul3A_293 : vector<16xf32>
        %swap3A_295 = arith.index_cast %scan3A_287 : i32 to index
        %swap3A_296 = arith.constant 0 : index
        %swap3A_297 = tpu.vector_load %arg9[%swap3A_295, %swap3A_296] {strides = array<i32>} : memref<200x64xf32, #tpu.memory_space<vmem>>, vector<1x16xf32>,
        %swap3A_298 = vector.shape_cast %swap3A_297 : vector<1x16xf32> to vector<16xf32>
        %swap3A_299 = vector.shape_cast %mul3A_294 : vector<16xf32> to vector<1x16xf32>
        tpu.vector_store %arg9[%swap3A_295, %swap3A_296], %swap3A_299 {strides = array<i32>} : memref<200x64xf32, #tpu.memory_space<vmem>>, vector<1x16xf32>,
        %get3A_300 = arith.index_cast %scan3A_287 : i32 to index
        %get3A_301 = arith.constant 16 : index
        %get3A_302 = tpu.vector_load %arg9[%get3A_300, %get3A_301] {strides = array<i32>} : memref<200x64xf32, #tpu.memory_space<vmem>>, vector<1x16xf32>,
        %get3A_303 = vector.shape_cast %get3A_302 : vector<1x16xf32> to vector<16xf32>
        %mul3A_304 = arith.constant 8.000000e+00 : f32
        %mul3A_305 = vector.broadcast %mul3A_304 : f32 to vector<16xf32>
        %mul3A_306 = arith.mulf %get3A_303, %mul3A_305 : vector<16xf32>
        %swap3A_307 = arith.index_cast %scan3A_287 : i32 to index
        %swap3A_308 = arith.constant 16 : index
        %swap3A_309 = tpu.vector_load %arg9[%swap3A_307, %swap3A_308] {strides = array<i32>} : memref<200x64xf32, #tpu.memory_space<vmem>>, vector<1x16xf32>,
        %swap3A_310 = vector.shape_cast %swap3A_309 : vector<1x16xf32> to vector<16xf32>
        %swap3A_311 = vector.shape_cast %mul3A_306 : vector<16xf32> to vector<1x16xf32>
        tpu.vector_store %arg9[%swap3A_307, %swap3A_308], %swap3A_311 {strides = array<i32>} : memref<200x64xf32, #tpu.memory_space<vmem>>, vector<1x16xf32>,
        %get3A_312 = arith.index_cast %scan3A_287 : i32 to index
        %get3A_313 = arith.constant 32 : index
        %get3A_314 = tpu.vector_load %arg9[%get3A_312, %get3A_313] {strides = array<i32>} : memref<200x64xf32, #tpu.memory_space<vmem>>, vector<1x16xf32>,
        %get3A_315 = vector.shape_cast %get3A_314 : vector<1x16xf32> to vector<16xf32>
        %mul3A_316 = arith.constant 8.000000e+00 : f32
        %mul3A_317 = vector.broadcast %mul3A_316 : f32 to vector<16xf32>
        %mul3A_318 = arith.mulf %get3A_315, %mul3A_317 : vector<16xf32>
        %swap3A_319 = arith.index_cast %scan3A_287 : i32 to index
        %swap3A_320 = arith.constant 32 : index
        %swap3A_321 = tpu.vector_load %arg9[%swap3A_319, %swap3A_320] {strides = array<i32>} : memref<200x64xf32, #tpu.memory_space<vmem>>, vector<1x16xf32>,
        %swap3A_322 = vector.shape_cast %swap3A_321 : vector<1x16xf32> to vector<16xf32>
        %swap3A_323 = vector.shape_cast %mul3A_318 : vector<16xf32> to vector<1x16xf32>
        tpu.vector_store %arg9[%swap3A_319, %swap3A_320], %swap3A_323 {strides = array<i32>} : memref<200x64xf32, #tpu.memory_space<vmem>>, vector<1x16xf32>,
        %get3A_324 = arith.index_cast %scan3A_287 : i32 to index
        %get3A_325 = arith.constant 48 : index
        %get3A_326 = tpu.vector_load %arg9[%get3A_324, %get3A_325] {strides = array<i32>} : memref<200x64xf32, #tpu.memory_space<vmem>>, vector<1x16xf32>,
        %get3A_327 = vector.shape_cast %get3A_326 : vector<1x16xf32> to vector<16xf32>
        %mul3A_328 = arith.constant 8.000000e+00 : f32
        %mul3A_329 = vector.broadcast %mul3A_328 : f32 to vector<16xf32>
        %mul3A_330 = arith.mulf %get3A_327, %mul3A_329 : vector<16xf32>
        %swap3A_331 = arith.index_cast %scan3A_287 : i32 to index
        %swap3A_332 = arith.constant 48 : index
        %swap3A_333 = tpu.vector_load %arg9[%swap3A_331, %swap3A_332] {strides = array<i32>} : memref<200x64xf32, #tpu.memory_space<vmem>>, vector<1x16xf32>,
        %swap3A_334 = vector.shape_cast %swap3A_333 : vector<1x16xf32> to vector<16xf32>
        %swap3A_335 = vector.shape_cast %mul3A_330 : vector<16xf32> to vector<1x16xf32>
        tpu.vector_store %arg9[%swap3A_331, %swap3A_332], %swap3A_335 {strides = array<i32>} : memref<200x64xf32, #tpu.memory_space<vmem>>, vector<1x16xf32>,
        %scan3A_336 = arith.constant 3 : i32
        %scan3A_337 = arith.addi %scan3A_189, %scan3A_336 : i32
        %get3A_338 = arith.index_cast %scan3A_337 : i32 to index
        %get3A_339 = arith.constant 0 : index
        %get3A_340 = tpu.vector_load %arg9[%get3A_338, %get3A_339] {strides = array<i32>} : memref<200x64xf32, #tpu.memory_space<vmem>>, vector<1x16xf32>,
        %get3A_341 = vector.shape_cast %get3A_340 : vector<1x16xf32> to vector<16xf32>
        %mul3A_342 = arith.constant 8.000000e+00 : f32
        %mul3A_343 = vector.broadcast %mul3A_342 : f32 to vector<16xf32>
        %mul3A_344 = arith.mulf %get3A_341, %mul3A_343 : vector<16xf32>
        %swap3A_345 = arith.index_cast %scan3A_337 : i32 to index
        %swap3A_346 = arith.constant 0 : index
        %swap3A_347 = tpu.vector_load %arg9[%swap3A_345, %swap3A_346] {strides = array<i32>} : memref<200x64xf32, #tpu.memory_space<vmem>>, vector<1x16xf32>,
        %swap3A_348 = vector.shape_cast %swap3A_347 : vector<1x16xf32> to vector<16xf32>
        %swap3A_349 = vector.shape_cast %mul3A_344 : vector<16xf32> to vector<1x16xf32>
        tpu.vector_store %arg9[%swap3A_345, %swap3A_346], %swap3A_349 {strides = array<i32>} : memref<200x64xf32, #tpu.memory_space<vmem>>, vector<1x16xf32>,
        %get3A_350 = arith.index_cast %scan3A_337 : i32 to index
        %get3A_351 = arith.constant 16 : index
        %get3A_352 = tpu.vector_load %arg9[%get3A_350, %get3A_351] {strides = array<i32>} : memref<200x64xf32, #tpu.memory_space<vmem>>, vector<1x16xf32>,
        %get3A_353 = vector.shape_cast %get3A_352 : vector<1x16xf32> to vector<16xf32>
        %mul3A_354 = arith.constant 8.000000e+00 : f32
        %mul3A_355 = vector.broadcast %mul3A_354 : f32 to vector<16xf32>
        %mul3A_356 = arith.mulf %get3A_353, %mul3A_355 : vector<16xf32>
        %swap3A_357 = arith.index_cast %scan3A_337 : i32 to index
        %swap3A_358 = arith.constant 16 : index
        %swap3A_359 = tpu.vector_load %arg9[%swap3A_357, %swap3A_358] {strides = array<i32>} : memref<200x64xf32, #tpu.memory_space<vmem>>, vector<1x16xf32>,
        %swap3A_360 = vector.shape_cast %swap3A_359 : vector<1x16xf32> to vector<16xf32>
        %swap3A_361 = vector.shape_cast %mul3A_356 : vector<16xf32> to vector<1x16xf32>
        tpu.vector_store %arg9[%swap3A_357, %swap3A_358], %swap3A_361 {strides = array<i32>} : memref<200x64xf32, #tpu.memory_space<vmem>>, vector<1x16xf32>,
        %get3A_362 = arith.index_cast %scan3A_337 : i32 to index
        %get3A_363 = arith.constant 32 : index
        %get3A_364 = tpu.vector_load %arg9[%get3A_362, %get3A_363] {strides = array<i32>} : memref<200x64xf32, #tpu.memory_space<vmem>>, vector<1x16xf32>,
        %get3A_365 = vector.shape_cast %get3A_364 : vector<1x16xf32> to vector<16xf32>
        %mul3A_366 = arith.constant 8.000000e+00 : f32
        %mul3A_367 = vector.broadcast %mul3A_366 : f32 to vector<16xf32>
        %mul3A_368 = arith.mulf %get3A_365, %mul3A_367 : vector<16xf32>
        %swap3A_369 = arith.index_cast %scan3A_337 : i32 to index
        %swap3A_370 = arith.constant 32 : index
        %swap3A_371 = tpu.vector_load %arg9[%swap3A_369, %swap3A_370] {strides = array<i32>} : memref<200x64xf32, #tpu.memory_space<vmem>>, vector<1x16xf32>,
        %swap3A_372 = vector.shape_cast %swap3A_371 : vector<1x16xf32> to vector<16xf32>
        %swap3A_373 = vector.shape_cast %mul3A_368 : vector<16xf32> to vector<1x16xf32>
        tpu.vector_store %arg9[%swap3A_369, %swap3A_370], %swap3A_373 {strides = array<i32>} : memref<200x64xf32, #tpu.memory_space<vmem>>, vector<1x16xf32>,
        %get3A_374 = arith.index_cast %scan3A_337 : i32 to index
        %get3A_375 = arith.constant 48 : index
        %get3A_376 = tpu.vector_load %arg9[%get3A_374, %get3A_375] {strides = array<i32>} : memref<200x64xf32, #tpu.memory_space<vmem>>, vector<1x16xf32>,
        %get3A_377 = vector.shape_cast %get3A_376 : vector<1x16xf32> to vector<16xf32>
        %mul3A_378 = arith.constant 8.000000e+00 : f32
        %mul3A_379 = vector.broadcast %mul3A_378 : f32 to vector<16xf32>
        %mul3A_380 = arith.mulf %get3A_377, %mul3A_379 : vector<16xf32>
        %swap3A_381 = arith.index_cast %scan3A_337 : i32 to index
        %swap3A_382 = arith.constant 48 : index
        %swap3A_383 = tpu.vector_load %arg9[%swap3A_381, %swap3A_382] {strides = array<i32>} : memref<200x64xf32, #tpu.memory_space<vmem>>, vector<1x16xf32>,
        %swap3A_384 = vector.shape_cast %swap3A_383 : vector<1x16xf32> to vector<16xf32>
        %swap3A_385 = vector.shape_cast %mul3A_380 : vector<16xf32> to vector<1x16xf32>
        tpu.vector_store %arg9[%swap3A_381, %swap3A_382], %swap3A_385 {strides = array<i32>} : memref<200x64xf32, #tpu.memory_space<vmem>>, vector<1x16xf32>,
      }
      %scan3A_179 = arith.constant 200 : i32
      %add3A_180 = arith.addi %mul3A_2, %add3A_153 : i32
      %dma_start3A_181 = arith.constant 0 : i32
      %dma_start3A_182 = arith.constant 0 : i32
      %dma_start3A_183 = tpu.memref_slice %arg4[%add3A_180, %dma_start3A_181, %dma_start3A_182] : memref<4096x200x64xf32, #tpu.memory_space<hbm>> -> memref<1x200x64xf32, #tpu.memory_space<hbm>>
      %dma_start3A_184 = tpu.memref_squeeze %dma_start3A_183 : memref<1x200x64xf32, #tpu.memory_space<hbm>> -> memref<200x64xf32, #tpu.memory_space<hbm>>
      %dma_start3A_185 = arith.constant 0 : i32
      %dma_start3A_186 = arith.constant 0 : i32
      %dma_start3A_187 = tpu.memref_slice %arg4[%add3A_180, %dma_start3A_185, %dma_start3A_186] : memref<4096x200x64xf32, #tpu.memory_space<hbm>> -> memref<1x200x64xf32, #tpu.memory_space<hbm>>
      %dma_start3A_188 = tpu.memref_squeeze %dma_start3A_187 : memref<1x200x64xf32, #tpu.memory_space<hbm>> -> memref<200x64xf32, #tpu.memory_space<hbm>>
      tpu.enqueue_dma source(%arg9 : memref<200x64xf32, #tpu.memory_space<vmem>>) target(%dma_start3A_188 : memref<200x64xf32, #tpu.memory_space<hbm>>) target_semaphore(%arg17 : memref<!tpu.dma_semaphore, #tpu.memory_space<semaphore_mem>>)
    }
    %scan3A_27 = arith.constant 32 : i32
    %add3A_28 = arith.constant 127 : i32
    %add3A_29 = arith.addi %mul3A_2, %add3A_28 : i32
    %dma_wait3A = arith.constant 0 : i32
    %dma_wait3A_30 = arith.constant 0 : i32
    %dma_wait3A_31 = tpu.memref_slice %arg4[%add3A_29, %dma_wait3A, %dma_wait3A_30] : memref<4096x200x64xf32, #tpu.memory_space<hbm>> -> memref<1x200x64xf32, #tpu.memory_space<hbm>>
    %dma_wait3A_32 = tpu.memref_squeeze %dma_wait3A_31 : memref<1x200x64xf32, #tpu.memory_space<hbm>> -> memref<200x64xf32, #tpu.memory_space<hbm>>
    %dma_wait3A_33 = arith.constant 0 : i32
    %dma_wait3A_34 = arith.constant 0 : i32
    %dma_wait3A_35 = tpu.memref_slice %arg4[%add3A_29, %dma_wait3A_33, %dma_wait3A_34] : memref<4096x200x64xf32, #tpu.memory_space<hbm>> -> memref<1x200x64xf32, #tpu.memory_space<hbm>>
    %dma_wait3A_36 = tpu.memref_squeeze %dma_wait3A_35 : memref<1x200x64xf32, #tpu.memory_space<hbm>> -> memref<200x64xf32, #tpu.memory_space<hbm>>
    tpu.wait_dma2 semaphore(%arg17 : memref<!tpu.dma_semaphore, #tpu.memory_space<semaphore_mem>>) src(%arg9 : memref<200x64xf32, #tpu.memory_space<vmem>>) dst(%dma_wait3A_36 : memref<200x64xf32, #tpu.memory_space<hbm>>)
    return
  }
}

</mosaic_0001>

<sc_bundles>
// kernel: kernel.3.cloned.1.call-start
scs
__scs_entry_jumppad:
0x0: {  	(pc) =	sbr.rel $0x88, $3  }
0x1: {  	(tag) =	ssettag $0x0;
	lr =	simm.s32 $0x1  }
0x2: {  	[smem:$0x3F9F] =	sst lr;
	_ =	strace $0xD0000000  }
0x3: {  	_ = 	snop  }
0x4: {  	_ = 	snop  }
0x5: {  	_ = 	snop  }
0x6: {  	_ = 	snop  }
0x7: {  	_ = 	snop  }
__scs_overlays_trampoline_lowered:
0x8: {  	[smem:$0x3FAE] =	sst s0  }
0x9: {  	[smem:$0x3FAF] =	sst s1  }
0xa: {  	[smem:$0x3FB0] =	sst s2  }
0xb: {  	[smem:$0x3FB1] =	sst s3  }
0xc: {  	[smem:$0x3FB2] =	sst s4  }
0xd: {  	[smem:$0x3FB3] =	sst s5  }
0xe: {  	[smem:$0x3FB4] =	sst s6  }
0xf: {  	[smem:$0x3FB5] =	sst s7  }
0x10: {  	[smem:$0x3FB6] =	sst s8  }
0x11: {  	[smem:$0x3FB7] =	sst s9;
	s0 =	simm.s32 @!p0 $0x0  }
0x12: {  	s1 =	sld [smem:$0x3F9D];
	s0 =	simm.s32 @p0 $0x1  }
0x13: {  	[smem:$0x3FB8] =	sst s0;
	s0 =	simm.s32 @!p1 $0x0  }
0x14: {  	s2 =	sld [smem:$0x3F9C];
	s0 =	simm.s32 @p1 $0x1  }
0x15: {  	[smem:$0x3FB9] =	sst s0;
	s0 =	simm.s32 @!p2 $0x0  }
0x16: {  	s3 =	sld [smem:$0x3FDB];
	s0 =	simm.s32 @p2 $0x1  }
0x17: {  	s4 =	simm.s32 $0x1BF5;
	[smem:$0x3FBB] =	sst s0  }
0x18: {  	s0 =	sld [smem:$0x3F9E];
	_ =	swait.ge [sflag:s4], $0x0  }
0x19: {  	s7 =	sld [smem:$0x3F9F]  }
0x1a: {  	s8 =	sadd.s32 $0xFFFFE003, lr  }
0x1b: {  	s9 =	sadd.s32 $0xFFFFFEF7, lr;
	s5 =	simm.s32 $0xFFFFFFFF;
	p2 =	slt.u32 s8, $0xFFFFF086  }
0x1c: {  	p1 =	slt.u32 s9, $0xF7A;
	s5 =	simm.s32 @!p2 $0x0  }
0x1d: {  	s5 =	simm.s32 @p1 $0x1;
	p0 =	seq.s32 s7, s2  }
0x1e: {  	s7 =	smul.u32 @!p0 $0xF7A, s2;
	p2 =	seq.s32 @!p0 s5, $0x0  }
0x1f: {  	s9 =	smul.u32 $0xF7A, s1;
	s8 =	simm.s32 @!p0 $0x1BF5;
	p2 =	por !p2, p0  }
0x20: {  	[sflag:s8] =	ssyncset.s32 @!p0 $0xFFFFF086;
	s6 =	sadd.s32 @!p0 s3, s7;
	s7 =	simm.s32 @!p0 $0x108  }
0x21: {  	s3 =	sadd.s32 s3, s9;
	s6 =	sadd.s32 @!p0 $0x88, s6;
	s7 =	simm.s32 @p2 $0x1082  }
0x22: {  	[simem:s7], [sflag:s8] =	dma.local @!p0 [hbm:s6], $0xF7A  }
0x23: {  	s9 =	sor.u32 $0xD0000000, s2;
	s6 =	simm.s32 $0x108;
	_ =	swait.ge @!p0 [sflag:s8], $0x0  }
0x24: {  	s3 =	sadd.s32 $0x88, s3;
	s6 =	simm.s32 @!p1 $0x1082;
	[sflag:s4] =	ssyncset.s32 $0xFFFFF086  }
0x25: {  	[simem:s6], [sflag:s4] =	dma.local [hbm:s3], $0xF7A  }
0x26: {  	[smem:$0x3F9F] =	sst s1;
	(tag) =	ssettag s2;
	_ =	strace s9  }
0x27: {  	s1 =	sld [smem:$0x3FAF]  }
0x28: {  	s2 =	sld [smem:$0x3FB0]  }
0x29: {  	s4 =	sld [smem:$0x3FB2]  }
0x2a: {  	p0 =	seq.s32 s5, $0x0;
	s5 =	sld [smem:$0x3FB3]  }
0x2b: {  	s6 =	sld [smem:$0x3FB4]  }
0x2c: {  	s7 =	sld [smem:$0x3FB5]  }
0x2d: {  	s3 =	simm.s32 $0x108;
	s8 =	sld [smem:$0x3FB6]  }
0x2e: {  	s3 =	simm.s32 @!p0 $0x1082;
	s9 =	sld [smem:$0x3FB7]  }
0x2f: {  	lr =	sadd.s32 s0, s3;
	s0 =	sld [smem:$0x3FAE]  }
0x30: {  	s3 =	sld [smem:$0x3FB1]  }
0x31: {  	[smem:$0x3FBA] =	sst s10  }
0x32: {  	s10 =	sld [smem:$0x3FB8];
	_ =	sdelay $0x3  }
0x33: {  	p0 =	seq.s32 s10, $0x1;
	s10 =	sld [smem:$0x3FBA];
	_ =	sdelay $0x3  }
0x34: {  	[smem:$0x3FBA] =	sst s10  }
0x35: {  	s10 =	sld [smem:$0x3FB9];
	_ =	sdelay $0x3  }
0x36: {  	p1 =	seq.s32 s10, $0x1;
	s10 =	sld [smem:$0x3FBA];
	_ =	sdelay $0x3  }
0x37: {  	[smem:$0x3FBA] =	sst s10  }
0x38: {  	s10 =	sld [smem:$0x3FBB]  }
0x39: {  	_ = 	snop;
	(pc) =	sbr.ind lr, $3  }
0x3a: {  	_ = 	snop  }
0x3b: {  	_ = 	snop  }
0x3c: {  	p2 =	seq.s32 s10, $0x1;
	s10 =	sld [smem:$0x3FBA]  }
0x3d: {  	_ =	shalt  }
0x3e: {  	_ =	shalt  }
0x3f: {  	_ =	shalt  }
0x40: {  	_ =	shalt  }
0x41: {  	_ =	shalt  }
0x42: {  	_ =	shalt  }
0x43: {  	_ =	shalt  }
0x44: {  	_ =	shalt  }
0x45: {  	_ =	shalt  }
0x46: {  	_ =	shalt  }
0x47: {  	_ =	shalt  }
0x48: {  	_ =	shalt  }
0x49: {  	_ =	shalt  }
0x4a: {  	_ =	shalt  }
0x4b: {  	_ =	shalt  }
0x4c: {  	_ =	shalt  }
0x4d: {  	_ =	shalt  }
0x4e: {  	_ =	shalt  }
0x4f: {  	_ =	shalt  }
0x50: {  	_ =	shalt  }
0x51: {  	_ =	shalt  }
0x52: {  	_ =	shalt  }
0x53: {  	_ =	shalt  }
0x54: {  	_ =	shalt  }
0x55: {  	_ =	shalt  }
0x56: {  	_ =	shalt  }
0x57: {  	_ =	shalt  }
0x58: {  	_ =	shalt  }
0x59: {  	_ =	shalt  }
0x5a: {  	_ =	shalt  }
0x5b: {  	_ =	shalt  }
0x5c: {  	_ =	shalt  }
0x5d: {  	_ =	shalt  }
0x5e: {  	_ =	shalt  }
0x5f: {  	_ =	shalt  }
0x60: {  	_ =	shalt  }
0x61: {  	_ =	shalt  }
0x62: {  	_ =	shalt  }
0x63: {  	_ =	shalt  }
0x64: {  	_ =	shalt  }
0x65: {  	_ =	shalt  }
0x66: {  	_ =	shalt  }
0x67: {  	_ =	shalt  }
0x68: {  	_ =	shalt  }
0x69: {  	_ =	shalt  }
0x6a: {  	_ =	shalt  }
0x6b: {  	_ =	shalt  }
0x6c: {  	_ =	shalt  }
0x6d: {  	_ =	shalt  }
0x6e: {  	_ =	shalt  }
0x6f: {  	_ =	shalt  }
0x70: {  	_ =	shalt  }
0x71: {  	_ =	shalt  }
0x72: {  	_ =	shalt  }
0x73: {  	_ =	shalt  }
0x74: {  	_ =	shalt  }
0x75: {  	_ =	shalt  }
0x76: {  	_ =	shalt  }
0x77: {  	_ =	shalt  }
0x78: {  	_ =	shalt  }
0x79: {  	_ =	shalt  }
0x7a: {  	_ =	shalt  }
0x7b: {  	_ =	shalt  }
0x7c: {  	_ =	shalt  }
0x7d: {  	_ =	shalt  }
0x7e: {  	_ =	shalt  }
0x7f: {  	_ =	shalt  }
0x80: {  	_ =	shalt  }
0x81: {  	_ =	shalt  }
0x82: {  	_ =	shalt  }
0x83: {  	_ =	shalt  }
0x84: {  	_ =	shalt  }
0x85: {  	_ =	shalt  }
0x86: {  	_ =	shalt  }
0x87: {  	_ =	shalt  }
.Lfunc_end0:
.L_simem_size_0:
called_computation.1_lowered:
.L_overlay_start_0:
0x88: {  	s2 =	sld [smem:$0x3FD9]  }
0x89: {  	s3 =	sld [smem:$0x3FFE];
	_ =	sdelay $0x1  }
0x8a: {  	s1 =	srdreg.scid  }
0x8b: {  	s0 =	sand.u32 $0x1, s1  }
0x8c: {  	s17 =	sshll.u32 s0, $0xA;
	s2 =	sadd.s32 s3, s2  }
0x8d: {  	s2 =	sadd.s32 s2, s17  }
0x8e: {  	[smem:$0x3FC6] =	sst s2  }
0x8f: {  	_ = 	snop  }
0x90: {  	s2 =	sld [smem:$0x3FD0];
	(tm) =	ssettm $0x1  }
0x91: {  	s18 =	sld [smem:$0x3FFB];
	_ =	sdelay $0x3  }
0x92: {  	_ =	strace s18  }
0x93: {  	s3 =	sld [smem:$0x3FFC];
	_ =	sdelay $0x3  }
0x94: {  	_ =	strace s3  }
0x95: {  	s3 =	sld [smem:$0x3FFD];
	_ =	sdelay $0x3  }
0x96: {  	_ =	strace s3  }
0x97: {  	_ =	strace $0x8FFFFFFF  }
0x98: {  	s19 =	sld [smem:$0x3FDB];
	_ =	sdelay $0x1  }
0x99: {  	s4 =	simm.s32 $_scs_section_size  }
0x9a: {  	s5 =	simm.s32 $_size__tile_overlayer_lowered;
	s6 =	simm.s32 $_tile_overlayer_lowered  }
0x9b: {  	s22 =	simm.s32 $0x1BFF;
	s21 =	sshll.u32 s6, $0x1;
	s3 =	sadd.s32 s4, s19  }
0x9c: {  	s7 =	simm.s32 $0x0;
	s20 =	sshll.u32 s5, $0x1;
	s5 =	sadd.s32 s21, s3  }
0x9d: {  	[timem:s7], [sflag:s22] =	dma.local [hbm:s5], s20  }
0x9e: {  	_ =	swait.ge [sflag:s22], s20  }
0x9f: {  	s4 =	ssub.s32 $0x0, s20;
	[sflag:s22] =	ssyncset.done $0x0  }
0xa0: {  	[sflag:s22] =	ssyncadd.s32 s4;
	_ =	sdelay $0x1  }
0xa1: {  	s23 =	simm.s32 $0x1B8B  }
0xa2: {  	_ =	swait.ge [sflag:s23], $0x1  }
0xa3: {  	[sflag:s23] =	ssyncset.done $0x0  }
0xa4: {  	s25 =	simm.s32 $0x1B8E;
	s24 =	sld [smem:$0x3FFE];
	[sflag:s23] =	ssyncadd.s32 $0xFFFFFFFF  }
0xa5: {  	s26 =	simm.s32 $execute0_lowered;
	[smem:$0x3FD2] =	sst s25  }
0xa6: {  	s5 =	sshll.u32 s26, $0x1;
	_ =	strace $0x80000046;
	[dreg:$0x1] =	wrdreg $0xFFFFFFFF  }
0xa7: {  	s28 =	simm.s32 $_size_execute0_lowered;
	s3 =	sadd.s32 s3, s5;
	[dreg:$0x0] =	wrdreg $0x0  }
0xa8: {  	s5 =	sshll.u32 s28, $0x1;
	[dreg:$0x2] =	wrdreg s3  }
0xa9: {  	[dreg:$0x3] =	wrdreg s5  }
0xaa: {  	[dreg:$0x4] =	wrdreg $0xC0  }
0xab: {  	_ =	task [dreg:s7], $0x5FFFF  }
0xac: {  	[dreg:$0x1] =	wrdreg $0xFFFFFFFF  }
0xad: {  	[dreg:$0x0] =	wrdreg $0x60  }
0xae: {  	[dreg:$0x2] =	wrdreg s24  }
0xaf: {  	[dreg:$0x3] =	wrdreg s2  }
0xb0: {  	[dreg:$0x4] =	wrdreg $0x9  }
0xb1: {  	_ =	task.clear_ibuf [dreg:s7], $0x5FFFF;
	_ =	strace $0x90000046  }
0xb2: {  	s29 =	simm.s32 $0x9;
	_ =	strace $0x80000048  }
0xb3: {  	_ =	swait.ge [sflag:s29], $0x1  }
0xb4: {  	[sflag:s29] =	ssyncadd.s32 $0xFFFFFFFF  }
0xb5: {  	_ =	strace $0x90000048  }
0xb6: {  	_ =	sfence  }
0xb7: {  	s30 =	sld [smem:$0x0];
	_ =	sdelay $0x2  }
0xb8: {  	s31 =	sshll.u32 s1, $0xD;
	s1 =	sshrl.u32 s1, $0x2  }
0xb9: {  	s3 =	sand.u32 $0x4000, s31;
	s1 =	sadd.s32 s1, s30  }
0xba: {  	s0 =	sor.u32 s3, s0;
	s1 =	sshll.u32 s1, $0x11  }
0xbb: {  	s0 =	sor.u32 s1, s0  }
0xbc: {  	s0 =	sadd.s32 $0x8F2B, s0  }
0xbd: {  	[sflag:s0] =	ssyncadd.remote.s32 $0x1  }
0xbe: {  	_ =	sfence.sel $0xFFFF  }
0xbf: {  	[dreg:$0x0] =	wrdreg $0xFFFFFFFF;
	(pc) =	sbr.abs _section_cstart, $3  }
0xc0: {  	[dreg:$0x1] =	wrdreg $0xFFFFFFFF  }
0xc1: {  	_ =	task.clear_ibuf [dreg:s7], $0x2FFFF;
	_ =	strace $0x9FFFFFFF  }
0xc2: {  	(tm) =	ssettm $0x7FFFFFFF  }
0xc3: {  	_ =	shalt  }
tec
execute0_lowered:
.L_overlay_start_1:
0x0: {  	(tag) =	ssettag $0x1  }
0x1: {  	s1 =	srdreg.scid;
	s5 =	rddreg [dreg:$0x0]  }
0x2: {  	s0 =	stileid.u32;
	s2 =	rddreg [dreg:$0x1];
	s3 =	simm.s32 $0x0  }
0x3: {  	s8 =	simm.s32 $0x9;
	s9 =	simm.s32 $0xC8;
	s10 =	simm.s32 $0x6400  }
0x4: {  	s11 =	simm.s32 $0x9600;
	s12 =	simm.s32 $0x190;
	s13 =	simm.s32 $0xC800  }
0x5: {  	s14 =	simm.s32 $0x1;
	s15 =	simm.s32 $0xFA00;
	s16 =	simm.s32 $0x2  }
0x6: {  	s17 =	simm.s32 $0x5;
	s18 =	simm.s32 $0x3;
	s1 =	sand.u32 $0x1, s1  }
0x7: {  	s19 =	simm.s32 $0x6;
	s4 =	sshll.u32 s0, $0x8;
	s6 =	sshll.u32 s1, $0x7  }
0x8: {  	s20 =	simm.s32 $0x4;
	s21 =	simm.s32 $0x7;
	s4 =	sor.u32 s6, s4  }
0x9: {  	s22 =	simm.s32 $0x8;
	s1 =	ssub.s32 $0x2, s1;
	s6 =	smul.u32 $0x19, s4  }
0xa: {  	s23 =	simm.s32 $0x0;
	[smem:$0x7FF] =	sst s3;
	s7 =	sshrl.u32 s1, $0x1  }
0xb: {  	_ =	strace $0x80000047;
	s1 =	ssub.s32 s1, s7;
	s6 =	sadd.s32 s6, s5  }
0xc: {  	s7 =	smax.u32 s1, $0x1;
	s5 =	sadd.s32 $0xF42E00, s5;
	s6 =	sadd.s32 $0xA00, s6  }
.LBB2_1:
0xd: {  	[tilespmem:s3], [sflag:$0x9] =	stream.linear.gather [hbm4b:s6+s3], $0x6400, $0x38;
	[tilespmem:$0x12C00] =	vst v63  }
0xe: {  	_ =	swait.ge [sflag:s8], $0x6400  }
0xf: {  	[sflag:s8] =	ssyncset.done $0x0  }
0x10: {  	[sflag:s8] =	ssyncadd.s32 $0xFFFF9C00  }
0x11: {  	[tilespmem:s10], [sflag:$0x1] =	stream.indirect.gather [hbm4b:s5+s9], $0x40, s3, s9, $0xb8;
	[tilespmem:$0x12C00] =	vst v63  }
0x12: {  	_ = 	snop  }
0x13: {  	[tilespmem:s11], [sflag:$0x2] =	stream.indirect.gather [hbm4b:s5+s9], $0x40, s9, s9, $0xb8;
	[tilespmem:$0x12C00] =	vst v63  }
0x14: {  	s24 =	simm.s32 $0x0  }
0x15: {  	[tilespmem:s13], [sflag:$0x3] =	stream.indirect.gather [hbm4b:s5+s9], $0x40, s12, s9, $0xb8;
	[tilespmem:$0x12C00] =	vst v63  }
.LBB2_2:
0x16: {  	_ =	swait.ge [sflag:s14], $0x3200  }
0x17: {  	s26 =	sshll.u32 s24, $0x2;
	p0 =	seq.s32 s24, $0x0;
	[sflag:s14] =	ssyncset.done $0x0  }
0x18: {  	s1 =	simm.s32 @!p0 $0x8;
	s25 =	sor.u32 $0x3, s26;
	[sflag:s14] =	ssyncadd.s32 $0xFFFFCE00  }
0x19: {  	s28 =	smul.u32 $0x320, s25;
	_ =	swait.ge @!p0 [sflag:s1], $0x3200  }
0x1a: {  	[sflag:s1] =	ssyncset.done @!p0 $0x0  }
0x1b: {  	s31 =	sshra.s32 s28, $0x2;
	s28 =	simm.s32 $0x6480;
	[sflag:s1] =	ssyncadd.s32 @!p0 $0xFFFFCE00  }
0x1c: {  	[tilespmem:s15], [sflag:$0x4] =	stream.indirect.gather [hbm4b:s5+s9], $0x40, s31, s9, $0xb8;
	[tilespmem:$0x12C00] =	vst v63  }
0x1d: {  	v0 =	vld [tilespmem:s28+$0xFFFFFF80]  }
0x1e: {  	v1 =	vld [tilespmem:s28+$0xFFFFFF90]  }
0x1f: {  	v2 =	vld [tilespmem:s28+$0xFFFFFFA0]  }
0x20: {  	v3 =	vld [tilespmem:s28+$0xFFFFFFB0]  }
0x21: {  	v4 =	vld [tilespmem:s28+$0xFFFFFFC0]  }
0x22: {  	v5 =	vld [tilespmem:s28+$0xFFFFFFD0];
	v0 =	vmul.f32 $8.000000000e+00, v0  }
0x23: {  	v6 =	vld [tilespmem:s28+$0xFFFFFFE0];
	v1 =	vmul.f32 $8.000000000e+00, v1  }
0x24: {  	[tilespmem:s28+$0xFFFFFF80] =	vst v0;
	v0 =	vmul.f32 $8.000000000e+00, v2;
	v2 =	vld [tilespmem:s28+$0x0]  }
0x25: {  	[tilespmem:s28+$0xFFFFFF90] =	vst v1;
	v1 =	vmul.f32 $8.000000000e+00, v3;
	v3 =	vld [tilespmem:s28+$0x10]  }
0x26: {  	[tilespmem:s28+$0xFFFFFFA0] =	vst v0;
	v0 =	vmul.f32 $8.000000000e+00, v4;
	v4 =	vld [tilespmem:s28+$0x20]  }
0x27: {  	v7 =	vld [tilespmem:s28+$0x30];
	[tilespmem:s28+$0xFFFFFFB0] =	vst v1;
	v1 =	vmul.f32 $8.000000000e+00, v5  }
0x28: {  	v5 =	vmul.f32 $8.000000000e+00, v6;
	[tilespmem:s28+$0xFFFFFFC0] =	vst v0;
	v0 =	vld [tilespmem:s28+$0x40]  }
0x29: {  	[tilespmem:s28+$0xFFFFFFD0] =	vst v1;
	v1 =	vmul.f32 $8.000000000e+00, v2;
	v2 =	vld [tilespmem:s28+$0x50]  }
0x2a: {  	[tilespmem:s28+$0xFFFFFFE0] =	vst v5;
	v6 =	vmul.f32 $8.000000000e+00, v3;
	v3 =	vld [tilespmem:s28+$0x60]  }
0x2b: {  	[tilespmem:s28+$0x0] =	vst v1;
	v5 =	vmul.f32 $8.000000000e+00, v4;
	v4 =	vld [tilespmem:s28+$0x70]  }
0x2c: {  	s29 =	simm.s32 $0x0;
	s30 =	simm.s32 $0x6580;
	v1 =	vld [tilespmem:s28+$0xFFFFFFF0];
	[tilespmem:s28+$0x10] =	vst v6;
	v6 =	vmul.f32 $8.000000000e+00, v7  }
.LBB2_3:
0x2d: {  	v7 =	vld [tilespmem:s30+$0xFFFFFF80];
	[tilespmem:s28+$0x20] =	vst v5;
	v0 =	vmul.f32 $8.000000000e+00, v0  }
0x2e: {  	v5 =	vld [tilespmem:s30+$0xFFFFFF90];
	[tilespmem:s28+$0x30] =	vst v6;
	v2 =	vmul.f32 $8.000000000e+00, v2  }
0x2f: {  	v6 =	vld [tilespmem:s30+$0xFFFFFFA0];
	[tilespmem:s28+$0x40] =	vst v0;
	v0 =	vmul.f32 $8.000000000e+00, v3  }
0x30: {  	v3 =	vld [tilespmem:s30+$0xFFFFFFB0];
	[tilespmem:s28+$0x50] =	vst v2;
	v2 =	vmul.f32 $8.000000000e+00, v4  }
0x31: {  	v4 =	vld [tilespmem:s30+$0xFFFFFFC0];
	v1 =	vmul.f32 $8.000000000e+00, v1;
	[tilespmem:s28+$0x60] =	vst v0  }
0x32: {  	v0 =	vmul.f32 $8.000000000e+00, v7;
	v7 =	vld [tilespmem:s30+$0xFFFFFFD0];
	[tilespmem:s28+$0x70] =	vst v2  }
0x33: {  	v2 =	vmul.f32 $8.000000000e+00, v5;
	v5 =	vld [tilespmem:s30+$0xFFFFFFE0];
	[tilespmem:s28+$0xFFFFFFF0] =	vst v1;
	s28 =	smov.u32 s30  }
0x34: {  	[tilespmem:s30+$0xFFFFFF80] =	vst v0;
	v0 =	vmul.f32 $8.000000000e+00, v6;
	v1 =	vld [tilespmem:s30+$0x0]  }
0x35: {  	[tilespmem:s30+$0xFFFFFF90] =	vst v2;
	v2 =	vmul.f32 $8.000000000e+00, v3;
	v3 =	vld [tilespmem:s30+$0x10]  }
0x36: {  	s29 =	sadd.s32 $0x4, s29;
	[tilespmem:s30+$0xFFFFFFA0] =	vst v0;
	v0 =	vmul.f32 $8.000000000e+00, v4;
	v4 =	vld [tilespmem:s30+$0x20]  }
0x37: {  	p0 =	slt.u32 s29, $0xC4;
	[tilespmem:s30+$0xFFFFFFB0] =	vst v2;
	v2 =	vmul.f32 $8.000000000e+00, v7;
	v6 =	vld [tilespmem:s30+$0x30]  }
.Ltmp0:
0x38: {  	[tilespmem:s30+$0xFFFFFFC0] =	vst v0;
	v5 =	vmul.f32 $8.000000000e+00, v5;
	v0 =	vld [tilespmem:s30+$0x40];
	(pc) =	sbr.rel @p0 .LBB2_3-.Ltmp0, $4  }
0x39: {  	[tilespmem:s30+$0xFFFFFFD0] =	vst v2;
	v1 =	vmul.f32 $8.000000000e+00, v1;
	v2 =	vld [tilespmem:s30+$0x50]  }
0x3a: {  	[tilespmem:s30+$0xFFFFFFE0] =	vst v5;
	v7 =	vmul.f32 $8.000000000e+00, v3;
	v3 =	vld [tilespmem:s30+$0x60]  }
0x3b: {  	[tilespmem:s30+$0x0] =	vst v1;
	v5 =	vmul.f32 $8.000000000e+00, v4;
	v4 =	vld [tilespmem:s30+$0x70]  }
0x3c: {  	s30 =	sadd.s32 $0x100, s30;
	v1 =	vld [tilespmem:s28+$0xFFFFFFF0];
	[tilespmem:s28+$0x10] =	vst v7;
	v6 =	vmul.f32 $8.000000000e+00, v6  }
0x3d: {  	[tilespmem:s28+$0x20] =	vst v5;
	v0 =	vmul.f32 $8.000000000e+00, v0  }
0x3e: {  	[tilespmem:s28+$0x30] =	vst v6;
	v2 =	vmul.f32 $8.000000000e+00, v2  }
0x3f: {  	[tilespmem:s28+$0x40] =	vst v0;
	v0 =	vmul.f32 $8.000000000e+00, v3  }
0x40: {  	s1 =	sadd.s32 s4, s26;
	[tilespmem:s28+$0x50] =	vst v2;
	v2 =	vmul.f32 $8.000000000e+00, v4  }
0x41: {  	s1 =	smul.u32 $0x640, s1;
	v1 =	vmul.f32 $8.000000000e+00, v1;
	[tilespmem:s28+$0x60] =	vst v0  }
0x42: {  	[tilespmem:s28+$0x70] =	vst v2  }
0x43: {  	s1 =	sadd.s32 s2, s1;
	[tilespmem:s28+$0xFFFFFFF0] =	vst v1  }
0x44: {  	[hbm4b:s1+s3] =	stream.linear.scatter [tilespmem:s10], [sflag:$0x5], $0x3200, $0x38;
	[tilespmem:$0x12C00] =	vst v63  }
0x45: {  	_ =	swait.ge [sflag:s16], $0x3200  }
0x46: {  	p0 =	seq.s32 s24, $0x1F;
	[sflag:s16] =	ssyncset.done $0x0  }
0x47: {  	s1 =	smul.u32 @!p0 $0xC80, s24;
	[sflag:s16] =	ssyncadd.s32 $0xFFFFCE00  }
0x48: {  	_ =	swait.ge [sflag:s17], $0x3200  }
0x49: {  	s29 =	simm.s32 @!p0 $0xC8;
	s28 =	sshra.s32 @!p0 s1, $0x2;
	[sflag:s17] =	ssyncset.done $0x0  }
0x4a: {  	s30 =	simm.s32 @!p0 $0x6400;
	s1 =	sadd.s32 @!p0 $0x320, s28;
	[sflag:s17] =	ssyncadd.s32 $0xFFFFCE00  }
0x4b: {  	[tilespmem:s30], [sflag:$0x1] =	stream.indirect.gather @!p0 [hbm4b:s5+s29], $0x40, s1, s29, $0xb8;
	[tilespmem:$0x12C00] =	vst v63  }
0x4c: {  	s29 =	simm.s32 $0x9680  }
0x4d: {  	v0 =	vld [tilespmem:s29+$0xFFFFFF80]  }
0x4e: {  	v1 =	vld [tilespmem:s29+$0xFFFFFF90]  }
0x4f: {  	v2 =	vld [tilespmem:s29+$0xFFFFFFA0]  }
0x50: {  	v3 =	vld [tilespmem:s29+$0xFFFFFFB0]  }
0x51: {  	v4 =	vld [tilespmem:s29+$0xFFFFFFC0]  }
0x52: {  	v5 =	vld [tilespmem:s29+$0xFFFFFFD0];
	v0 =	vmul.f32 $8.000000000e+00, v0  }
0x53: {  	v6 =	vld [tilespmem:s29+$0xFFFFFFE0];
	v1 =	vmul.f32 $8.000000000e+00, v1  }
0x54: {  	[tilespmem:s29+$0xFFFFFF80] =	vst v0;
	v0 =	vmul.f32 $8.000000000e+00, v2;
	v2 =	vld [tilespmem:s29+$0x0]  }
0x55: {  	[tilespmem:s29+$0xFFFFFF90] =	vst v1;
	v1 =	vmul.f32 $8.000000000e+00, v3;
	v3 =	vld [tilespmem:s29+$0x10]  }
0x56: {  	[tilespmem:s29+$0xFFFFFFA0] =	vst v0;
	v0 =	vmul.f32 $8.000000000e+00, v4;
	v4 =	vld [tilespmem:s29+$0x20]  }
0x57: {  	v7 =	vld [tilespmem:s29+$0x30];
	[tilespmem:s29+$0xFFFFFFB0] =	vst v1;
	v1 =	vmul.f32 $8.000000000e+00, v5  }
0x58: {  	v5 =	vmul.f32 $8.000000000e+00, v6;
	[tilespmem:s29+$0xFFFFFFC0] =	vst v0;
	v0 =	vld [tilespmem:s29+$0x40]  }
0x59: {  	[tilespmem:s29+$0xFFFFFFD0] =	vst v1;
	v1 =	vmul.f32 $8.000000000e+00, v2;
	v2 =	vld [tilespmem:s29+$0x50]  }
0x5a: {  	[tilespmem:s29+$0xFFFFFFE0] =	vst v5;
	v6 =	vmul.f32 $8.000000000e+00, v3;
	v3 =	vld [tilespmem:s29+$0x60]  }
0x5b: {  	[tilespmem:s29+$0x0] =	vst v1;
	v5 =	vmul.f32 $8.000000000e+00, v4;
	v4 =	vld [tilespmem:s29+$0x70]  }
0x5c: {  	s31 =	simm.s32 $0x0;
	s30 =	sor.u32 $0x1, s26;
	s1 =	simm.s32 $0x9780;
	v1 =	vld [tilespmem:s29+$0xFFFFFFF0];
	[tilespmem:s29+$0x10] =	vst v6;
	v6 =	vmul.f32 $8.000000000e+00, v7  }
.LBB2_5:
0x5d: {  	v7 =	vld [tilespmem:s1+$0xFFFFFF80];
	[tilespmem:s29+$0x20] =	vst v5;
	v0 =	vmul.f32 $8.000000000e+00, v0  }
0x5e: {  	v5 =	vld [tilespmem:s1+$0xFFFFFF90];
	[tilespmem:s29+$0x30] =	vst v6;
	v2 =	vmul.f32 $8.000000000e+00, v2  }
0x5f: {  	v6 =	vld [tilespmem:s1+$0xFFFFFFA0];
	[tilespmem:s29+$0x40] =	vst v0;
	v0 =	vmul.f32 $8.000000000e+00, v3  }
0x60: {  	v3 =	vld [tilespmem:s1+$0xFFFFFFB0];
	[tilespmem:s29+$0x50] =	vst v2;
	v2 =	vmul.f32 $8.000000000e+00, v4  }
0x61: {  	v4 =	vld [tilespmem:s1+$0xFFFFFFC0];
	v1 =	vmul.f32 $8.000000000e+00, v1;
	[tilespmem:s29+$0x60] =	vst v0  }
0x62: {  	v0 =	vmul.f32 $8.000000000e+00, v7;
	v7 =	vld [tilespmem:s1+$0xFFFFFFD0];
	[tilespmem:s29+$0x70] =	vst v2  }
0x63: {  	v2 =	vmul.f32 $8.000000000e+00, v5;
	v5 =	vld [tilespmem:s1+$0xFFFFFFE0];
	[tilespmem:s29+$0xFFFFFFF0] =	vst v1;
	s29 =	smov.u32 s1  }
0x64: {  	[tilespmem:s1+$0xFFFFFF80] =	vst v0;
	v0 =	vmul.f32 $8.000000000e+00, v6;
	v1 =	vld [tilespmem:s1+$0x0]  }
0x65: {  	[tilespmem:s1+$0xFFFFFF90] =	vst v2;
	v2 =	vmul.f32 $8.000000000e+00, v3;
	v3 =	vld [tilespmem:s1+$0x10]  }
0x66: {  	s31 =	sadd.s32 $0x4, s31;
	[tilespmem:s1+$0xFFFFFFA0] =	vst v0;
	v0 =	vmul.f32 $8.000000000e+00, v4;
	v4 =	vld [tilespmem:s1+$0x20]  }
0x67: {  	p1 =	slt.u32 s31, $0xC4;
	[tilespmem:s1+$0xFFFFFFB0] =	vst v2;
	v2 =	vmul.f32 $8.000000000e+00, v7;
	v6 =	vld [tilespmem:s1+$0x30]  }
.Ltmp1:
0x68: {  	[tilespmem:s1+$0xFFFFFFC0] =	vst v0;
	v5 =	vmul.f32 $8.000000000e+00, v5;
	v0 =	vld [tilespmem:s1+$0x40];
	(pc) =	sbr.rel @p1 .LBB2_5-.Ltmp1, $4  }
0x69: {  	[tilespmem:s1+$0xFFFFFFD0] =	vst v2;
	v1 =	vmul.f32 $8.000000000e+00, v1;
	v2 =	vld [tilespmem:s1+$0x50]  }
0x6a: {  	[tilespmem:s1+$0xFFFFFFE0] =	vst v5;
	v7 =	vmul.f32 $8.000000000e+00, v3;
	v3 =	vld [tilespmem:s1+$0x60]  }
0x6b: {  	[tilespmem:s1+$0x0] =	vst v1;
	v5 =	vmul.f32 $8.000000000e+00, v4;
	v4 =	vld [tilespmem:s1+$0x70]  }
0x6c: {  	s1 =	sadd.s32 $0x100, s1;
	v1 =	vld [tilespmem:s29+$0xFFFFFFF0];
	[tilespmem:s29+$0x10] =	vst v7;
	v6 =	vmul.f32 $8.000000000e+00, v6  }
0x6d: {  	[tilespmem:s29+$0x20] =	vst v5;
	v0 =	vmul.f32 $8.000000000e+00, v0  }
0x6e: {  	[tilespmem:s29+$0x30] =	vst v6;
	v2 =	vmul.f32 $8.000000000e+00, v2  }
0x6f: {  	[tilespmem:s29+$0x40] =	vst v0;
	v0 =	vmul.f32 $8.000000000e+00, v3  }
0x70: {  	s1 =	sadd.s32 s4, s30;
	[tilespmem:s29+$0x50] =	vst v2;
	v2 =	vmul.f32 $8.000000000e+00, v4  }
0x71: {  	s1 =	smul.u32 $0x640, s1;
	v1 =	vmul.f32 $8.000000000e+00, v1;
	[tilespmem:s29+$0x60] =	vst v0  }
0x72: {  	[tilespmem:s29+$0x70] =	vst v2  }
0x73: {  	s1 =	sadd.s32 s2, s1;
	[tilespmem:s29+$0xFFFFFFF0] =	vst v1  }
0x74: {  	[hbm4b:s1+s3] =	stream.linear.scatter [tilespmem:s11], [sflag:$0x6], $0x3200, $0x38;
	[tilespmem:$0x12C00] =	vst v63  }
0x75: {  	_ =	swait.ge [sflag:s18], $0x3200  }
0x76: {  	[sflag:s18] =	ssyncset.done $0x0  }
0x77: {  	[sflag:s18] =	ssyncadd.s32 $0xFFFFCE00  }
0x78: {  	_ =	swait.ge [sflag:s19], $0x3200  }
0x79: {  	s30 =	simm.s32 @!p0 $0x9600;
	[sflag:s19] =	ssyncset.done $0x0  }
0x7a: {  	s29 =	simm.s32 @!p0 $0xC8;
	s1 =	sadd.s32 @!p0 $0x3E8, s28;
	[sflag:s19] =	ssyncadd.s32 $0xFFFFCE00  }
0x7b: {  	[tilespmem:s30], [sflag:$0x2] =	stream.indirect.gather @!p0 [hbm4b:s5+s29], $0x40, s1, s29, $0xb8;
	[tilespmem:$0x12C00] =	vst v63  }
0x7c: {  	s29 =	simm.s32 $0xC880  }
0x7d: {  	v0 =	vld [tilespmem:s29+$0xFFFFFF80]  }
0x7e: {  	v1 =	vld [tilespmem:s29+$0xFFFFFF90]  }
0x7f: {  	v2 =	vld [tilespmem:s29+$0xFFFFFFA0]  }
0x80: {  	v3 =	vld [tilespmem:s29+$0xFFFFFFB0]  }
0x81: {  	v4 =	vld [tilespmem:s29+$0xFFFFFFC0]  }
0x82: {  	v5 =	vld [tilespmem:s29+$0xFFFFFFD0];
	v0 =	vmul.f32 $8.000000000e+00, v0  }
0x83: {  	v6 =	vld [tilespmem:s29+$0xFFFFFFE0];
	v1 =	vmul.f32 $8.000000000e+00, v1  }
0x84: {  	[tilespmem:s29+$0xFFFFFF80] =	vst v0;
	v0 =	vmul.f32 $8.000000000e+00, v2;
	v2 =	vld [tilespmem:s29+$0x0]  }
0x85: {  	[tilespmem:s29+$0xFFFFFF90] =	vst v1;
	v1 =	vmul.f32 $8.000000000e+00, v3;
	v3 =	vld [tilespmem:s29+$0x10]  }
0x86: {  	[tilespmem:s29+$0xFFFFFFA0] =	vst v0;
	v0 =	vmul.f32 $8.000000000e+00, v4;
	v4 =	vld [tilespmem:s29+$0x20]  }
0x87: {  	v7 =	vld [tilespmem:s29+$0x30];
	[tilespmem:s29+$0xFFFFFFB0] =	vst v1;
	v1 =	vmul.f32 $8.000000000e+00, v5  }
0x88: {  	v5 =	vmul.f32 $8.000000000e+00, v6;
	[tilespmem:s29+$0xFFFFFFC0] =	vst v0;
	v0 =	vld [tilespmem:s29+$0x40]  }
0x89: {  	[tilespmem:s29+$0xFFFFFFD0] =	vst v1;
	v1 =	vmul.f32 $8.000000000e+00, v2;
	v2 =	vld [tilespmem:s29+$0x50]  }
0x8a: {  	[tilespmem:s29+$0xFFFFFFE0] =	vst v5;
	v6 =	vmul.f32 $8.000000000e+00, v3;
	v3 =	vld [tilespmem:s29+$0x60]  }
0x8b: {  	[tilespmem:s29+$0x0] =	vst v1;
	v5 =	vmul.f32 $8.000000000e+00, v4;
	v4 =	vld [tilespmem:s29+$0x70]  }
0x8c: {  	s26 =	sor.u32 $0x2, s26;
	s30 =	simm.s32 $0x0;
	s1 =	simm.s32 $0xC980;
	v1 =	vld [tilespmem:s29+$0xFFFFFFF0];
	[tilespmem:s29+$0x10] =	vst v6;
	v6 =	vmul.f32 $8.000000000e+00, v7  }
.LBB2_7:
0x8d: {  	v7 =	vld [tilespmem:s1+$0xFFFFFF80];
	[tilespmem:s29+$0x20] =	vst v5;
	v0 =	vmul.f32 $8.000000000e+00, v0  }
0x8e: {  	v5 =	vld [tilespmem:s1+$0xFFFFFF90];
	[tilespmem:s29+$0x30] =	vst v6;
	v2 =	vmul.f32 $8.000000000e+00, v2  }
0x8f: {  	v6 =	vld [tilespmem:s1+$0xFFFFFFA0];
	[tilespmem:s29+$0x40] =	vst v0;
	v0 =	vmul.f32 $8.000000000e+00, v3  }
0x90: {  	v3 =	vld [tilespmem:s1+$0xFFFFFFB0];
	[tilespmem:s29+$0x50] =	vst v2;
	v2 =	vmul.f32 $8.000000000e+00, v4  }
0x91: {  	v4 =	vld [tilespmem:s1+$0xFFFFFFC0];
	v1 =	vmul.f32 $8.000000000e+00, v1;
	[tilespmem:s29+$0x60] =	vst v0  }
0x92: {  	v0 =	vmul.f32 $8.000000000e+00, v7;
	v7 =	vld [tilespmem:s1+$0xFFFFFFD0];
	[tilespmem:s29+$0x70] =	vst v2  }
0x93: {  	v2 =	vmul.f32 $8.000000000e+00, v5;
	v5 =	vld [tilespmem:s1+$0xFFFFFFE0];
	[tilespmem:s29+$0xFFFFFFF0] =	vst v1;
	s29 =	smov.u32 s1  }
0x94: {  	[tilespmem:s1+$0xFFFFFF80] =	vst v0;
	v0 =	vmul.f32 $8.000000000e+00, v6;
	v1 =	vld [tilespmem:s1+$0x0]  }
0x95: {  	[tilespmem:s1+$0xFFFFFF90] =	vst v2;
	v2 =	vmul.f32 $8.000000000e+00, v3;
	v3 =	vld [tilespmem:s1+$0x10]  }
0x96: {  	s30 =	sadd.s32 $0x4, s30;
	[tilespmem:s1+$0xFFFFFFA0] =	vst v0;
	v0 =	vmul.f32 $8.000000000e+00, v4;
	v4 =	vld [tilespmem:s1+$0x20]  }
0x97: {  	p1 =	slt.u32 s30, $0xC4;
	[tilespmem:s1+$0xFFFFFFB0] =	vst v2;
	v2 =	vmul.f32 $8.000000000e+00, v7;
	v6 =	vld [tilespmem:s1+$0x30]  }
.Ltmp2:
0x98: {  	[tilespmem:s1+$0xFFFFFFC0] =	vst v0;
	v5 =	vmul.f32 $8.000000000e+00, v5;
	v0 =	vld [tilespmem:s1+$0x40];
	(pc) =	sbr.rel @p1 .LBB2_7-.Ltmp2, $4  }
0x99: {  	[tilespmem:s1+$0xFFFFFFD0] =	vst v2;
	v1 =	vmul.f32 $8.000000000e+00, v1;
	v2 =	vld [tilespmem:s1+$0x50]  }
0x9a: {  	[tilespmem:s1+$0xFFFFFFE0] =	vst v5;
	v7 =	vmul.f32 $8.000000000e+00, v3;
	v3 =	vld [tilespmem:s1+$0x60]  }
0x9b: {  	[tilespmem:s1+$0x0] =	vst v1;
	v5 =	vmul.f32 $8.000000000e+00, v4;
	v4 =	vld [tilespmem:s1+$0x70]  }
0x9c: {  	s1 =	sadd.s32 $0x100, s1;
	v1 =	vld [tilespmem:s29+$0xFFFFFFF0];
	[tilespmem:s29+$0x10] =	vst v7;
	v6 =	vmul.f32 $8.000000000e+00, v6  }
0x9d: {  	[tilespmem:s29+$0x20] =	vst v5;
	v0 =	vmul.f32 $8.000000000e+00, v0  }
0x9e: {  	[tilespmem:s29+$0x30] =	vst v6;
	v2 =	vmul.f32 $8.000000000e+00, v2  }
0x9f: {  	[tilespmem:s29+$0x40] =	vst v0;
	v0 =	vmul.f32 $8.000000000e+00, v3  }
0xa0: {  	s1 =	sadd.s32 s4, s26;
	[tilespmem:s29+$0x50] =	vst v2;
	v2 =	vmul.f32 $8.000000000e+00, v4  }
0xa1: {  	s1 =	smul.u32 $0x640, s1;
	v1 =	vmul.f32 $8.000000000e+00, v1;
	[tilespmem:s29+$0x60] =	vst v0  }
0xa2: {  	[tilespmem:s29+$0x70] =	vst v2  }
0xa3: {  	s1 =	sadd.s32 s2, s1;
	[tilespmem:s29+$0xFFFFFFF0] =	vst v1  }
0xa4: {  	[hbm4b:s1+s3] =	stream.linear.scatter [tilespmem:s13], [sflag:$0x7], $0x3200, $0x38;
	[tilespmem:$0x12C00] =	vst v63  }
0xa5: {  	_ =	swait.ge [sflag:s20], $0x3200  }
0xa6: {  	[sflag:s20] =	ssyncset.done $0x0  }
0xa7: {  	[sflag:s20] =	ssyncadd.s32 $0xFFFFCE00  }
0xa8: {  	_ =	swait.ge [sflag:s21], $0x3200  }
0xa9: {  	s26 =	simm.s32 @!p0 $0xC8;
	[sflag:s21] =	ssyncset.done $0x0  }
0xaa: {  	s1 =	sadd.s32 @!p0 $0x4B0, s28;
	s28 =	simm.s32 @!p0 $0xC800;
	[sflag:s21] =	ssyncadd.s32 $0xFFFFCE00  }
0xab: {  	[tilespmem:s28], [sflag:$0x3] =	stream.indirect.gather @!p0 [hbm4b:s5+s26], $0x40, s1, s26, $0xb8;
	[tilespmem:$0x12C00] =	vst v63  }
0xac: {  	s26 =	simm.s32 $0xFA80  }
0xad: {  	v0 =	vld [tilespmem:s26+$0xFFFFFF80]  }
0xae: {  	v1 =	vld [tilespmem:s26+$0xFFFFFF90]  }
0xaf: {  	v2 =	vld [tilespmem:s26+$0xFFFFFFA0]  }
0xb0: {  	v3 =	vld [tilespmem:s26+$0xFFFFFFB0]  }
0xb1: {  	v4 =	vld [tilespmem:s26+$0xFFFFFFC0]  }
0xb2: {  	v5 =	vld [tilespmem:s26+$0xFFFFFFD0];
	v0 =	vmul.f32 $8.000000000e+00, v0  }
0xb3: {  	v6 =	vld [tilespmem:s26+$0xFFFFFFE0];
	v1 =	vmul.f32 $8.000000000e+00, v1  }
0xb4: {  	[tilespmem:s26+$0xFFFFFF80] =	vst v0;
	v0 =	vmul.f32 $8.000000000e+00, v2;
	v2 =	vld [tilespmem:s26+$0x0]  }
0xb5: {  	[tilespmem:s26+$0xFFFFFF90] =	vst v1;
	v1 =	vmul.f32 $8.000000000e+00, v3;
	v3 =	vld [tilespmem:s26+$0x10]  }
0xb6: {  	[tilespmem:s26+$0xFFFFFFA0] =	vst v0;
	v0 =	vmul.f32 $8.000000000e+00, v4;
	v4 =	vld [tilespmem:s26+$0x20]  }
0xb7: {  	v7 =	vld [tilespmem:s26+$0x30];
	[tilespmem:s26+$0xFFFFFFB0] =	vst v1;
	v1 =	vmul.f32 $8.000000000e+00, v5  }
0xb8: {  	v5 =	vmul.f32 $8.000000000e+00, v6;
	[tilespmem:s26+$0xFFFFFFC0] =	vst v0;
	v0 =	vld [tilespmem:s26+$0x40]  }
0xb9: {  	[tilespmem:s26+$0xFFFFFFD0] =	vst v1;
	v1 =	vmul.f32 $8.000000000e+00, v2;
	v2 =	vld [tilespmem:s26+$0x50]  }
0xba: {  	[tilespmem:s26+$0xFFFFFFE0] =	vst v5;
	v6 =	vmul.f32 $8.000000000e+00, v3;
	v3 =	vld [tilespmem:s26+$0x60]  }
0xbb: {  	[tilespmem:s26+$0x0] =	vst v1;
	v5 =	vmul.f32 $8.000000000e+00, v4;
	v4 =	vld [tilespmem:s26+$0x70]  }
0xbc: {  	s28 =	simm.s32 $0x0;
	s1 =	simm.s32 $0xFB80;
	v1 =	vld [tilespmem:s26+$0xFFFFFFF0];
	[tilespmem:s26+$0x10] =	vst v6;
	v6 =	vmul.f32 $8.000000000e+00, v7  }
.LBB2_9:
0xbd: {  	v7 =	vld [tilespmem:s1+$0xFFFFFF80];
	[tilespmem:s26+$0x20] =	vst v5;
	v0 =	vmul.f32 $8.000000000e+00, v0  }
0xbe: {  	v5 =	vld [tilespmem:s1+$0xFFFFFF90];
	[tilespmem:s26+$0x30] =	vst v6;
	v2 =	vmul.f32 $8.000000000e+00, v2  }
0xbf: {  	v6 =	vld [tilespmem:s1+$0xFFFFFFA0];
	[tilespmem:s26+$0x40] =	vst v0;
	v0 =	vmul.f32 $8.000000000e+00, v3  }
0xc0: {  	v3 =	vld [tilespmem:s1+$0xFFFFFFB0];
	[tilespmem:s26+$0x50] =	vst v2;
	v2 =	vmul.f32 $8.000000000e+00, v4  }
0xc1: {  	v4 =	vld [tilespmem:s1+$0xFFFFFFC0];
	v1 =	vmul.f32 $8.000000000e+00, v1;
	[tilespmem:s26+$0x60] =	vst v0  }
0xc2: {  	v0 =	vmul.f32 $8.000000000e+00, v7;
	v7 =	vld [tilespmem:s1+$0xFFFFFFD0];
	[tilespmem:s26+$0x70] =	vst v2  }
0xc3: {  	v2 =	vmul.f32 $8.000000000e+00, v5;
	v5 =	vld [tilespmem:s1+$0xFFFFFFE0];
	[tilespmem:s26+$0xFFFFFFF0] =	vst v1;
	s26 =	smov.u32 s1  }
0xc4: {  	[tilespmem:s1+$0xFFFFFF80] =	vst v0;
	v0 =	vmul.f32 $8.000000000e+00, v6;
	v1 =	vld [tilespmem:s1+$0x0]  }
0xc5: {  	[tilespmem:s1+$0xFFFFFF90] =	vst v2;
	v2 =	vmul.f32 $8.000000000e+00, v3;
	v3 =	vld [tilespmem:s1+$0x10]  }
0xc6: {  	s28 =	sadd.s32 $0x4, s28;
	[tilespmem:s1+$0xFFFFFFA0] =	vst v0;
	v0 =	vmul.f32 $8.000000000e+00, v4;
	v4 =	vld [tilespmem:s1+$0x20]  }
0xc7: {  	p0 =	slt.u32 s28, $0xC4;
	[tilespmem:s1+$0xFFFFFFB0] =	vst v2;
	v2 =	vmul.f32 $8.000000000e+00, v7;
	v6 =	vld [tilespmem:s1+$0x30]  }
.Ltmp3:
0xc8: {  	[tilespmem:s1+$0xFFFFFFC0] =	vst v0;
	v5 =	vmul.f32 $8.000000000e+00, v5;
	v0 =	vld [tilespmem:s1+$0x40];
	(pc) =	sbr.rel @p0 .LBB2_9-.Ltmp3, $4  }
0xc9: {  	[tilespmem:s1+$0xFFFFFFD0] =	vst v2;
	v1 =	vmul.f32 $8.000000000e+00, v1;
	v2 =	vld [tilespmem:s1+$0x50]  }
0xca: {  	[tilespmem:s1+$0xFFFFFFE0] =	vst v5;
	v7 =	vmul.f32 $8.000000000e+00, v3;
	v3 =	vld [tilespmem:s1+$0x60]  }
0xcb: {  	[tilespmem:s1+$0x0] =	vst v1;
	v5 =	vmul.f32 $8.000000000e+00, v4;
	v4 =	vld [tilespmem:s1+$0x70]  }
0xcc: {  	s1 =	sadd.s32 $0x100, s1;
	v1 =	vld [tilespmem:s26+$0xFFFFFFF0];
	[tilespmem:s26+$0x10] =	vst v7;
	v6 =	vmul.f32 $8.000000000e+00, v6  }
0xcd: {  	[tilespmem:s26+$0x20] =	vst v5;
	v0 =	vmul.f32 $8.000000000e+00, v0  }
0xce: {  	s24 =	sadd.s32 $0x1, s24;
	[tilespmem:s26+$0x30] =	vst v6;
	v2 =	vmul.f32 $8.000000000e+00, v2  }
0xcf: {  	p0 =	sne.s32 s24, $0x20;
	[tilespmem:s26+$0x40] =	vst v0;
	v62 =	vmul.f32 $8.000000000e+00, v3  }
.Ltmp4:
0xd0: {  	s1 =	sadd.s32 s4, s25;
	[tilespmem:s26+$0x50] =	vst v2;
	v63 =	vmul.f32 $8.000000000e+00, v4;
	(pc) =	sbr.rel @p0 .LBB2_2-.Ltmp4, $4  }
0xd1: {  	s1 =	smul.u32 $0x640, s1;
	v1 =	vmul.f32 $8.000000000e+00, v1;
	[tilespmem:s26+$0x60] =	vst v62  }
0xd2: {  	[tilespmem:s26+$0x70] =	vst v63  }
0xd3: {  	s1 =	sadd.s32 s2, s1;
	[tilespmem:s26+$0xFFFFFFF0] =	vst v1  }
0xd4: {  	[hbm4b:s1+s3] =	stream.linear.scatter [tilespmem:s15], [sflag:$0x8], $0x3200, $0x38;
	[tilespmem:$0x12C00] =	vst v63  }
0xd5: {  	s23 =	sadd.s32 $0x1, s23  }
0xd6: {  	p0 =	sne.s32 s23, s7  }
.Ltmp5:
0xd7: {  	_ = 	snop;
	(pc) =	sbr.rel @p0 .LBB2_1-.Ltmp5, $4  }
0xd8: {  	_ = 	snop  }
0xd9: {  	_ =	swait.ge [sflag:s22], $0x3200  }
0xda: {  	[sflag:s22] =	ssyncset.done $0x0  }
0xdb: {  	[sflag:s22] =	ssyncadd.s32 $0xFFFFCE00  }
0xdc: {  	_ =	sfence.sel $0x180000  }
0xdd: {  	[bflag:$0x0] =	sbarrier.arrive $0xFFFF  }
0xde: {  	_ =	strace $0x90000047  }
0xdf: {  	[bflag:$0x2] =	sbarrier.arrive $0xFFFF  }
0xe0: {  	p0 =	sne.s32 s0, $0x0;
	s0 =	rddreg [dreg:$0x2]  }
0xe1: {  	s0 =	sadd.s32 @!p0 $0x100000, s0  }
0xe2: {  	[sflag:s0] =	ssyncadd.tile.s32 @!p0 $0x1;
	_ =	shalt  }
.Lfunc_end2:
_tile_overlayer_lowered:
.L_overlay_start_2:
0xe3: {  	(tag) =	ssettag $0x2  }
0xe4: {  	s0 =	rddreg [dreg:$0x0];
	s2 =	stileid.u32  }
0xe5: {  	s1 =	rddreg [dreg:$0x1];
	p0 =	sne.s32 s2, $0x0  }
0xe6: {  	s3 =	rddreg [dreg:$0x2];
	[bflag:$0x3] =	sbarrier.arrive $0xFFFF;
	s2 =	simm.s32 @!p0 $0x1C09  }
0xe7: {  	[timem:s3], [sflag:s2] =	dma.local @!p0 [hbm:s0], s1  }
0xe8: {  	s0 =	simm.s32 @!p0 $0x9  }
0xe9: {  	_ =	swait.ge @!p0 [sflag:s0], s1  }
0xea: {  	s1 =	ssub.s32 @!p0 $0x0, s1;
	[sflag:s0] =	ssyncset.done @!p0 $0x0  }
0xeb: {  	[sflag:s0] =	ssyncadd.s32 @!p0 s1  }
0xec: {  	[bflag:$0x3] =	sbarrier.arrive $0xFFFF  }
0xed: {  	_ =	shalt  }

// kernel: sparse-core-data-format-call.cloned.1.call-start
scs
called_computation_lowered:
.L_overlay_start_0:
0x0: {  	s2 =	sld [smem:$0x3FD9]  }
0x1: {  	s3 =	sld [smem:$0x3FFE];
	_ =	sdelay $0x1  }
0x2: {  	s1 =	srdreg.scid  }
0x3: {  	s0 =	sand.u32 $0x1, s1  }
0x4: {  	s18 =	sshll.u32 s0, $0xA;
	s2 =	sadd.s32 s3, s2  }
0x5: {  	s2 =	sadd.s32 s2, s18  }
0x6: {  	[smem:$0x3FC6] =	sst s2  }
0x7: {  	_ = 	snop  }
0x8: {  	s2 =	sld [smem:$0x3FD0];
	(tm) =	ssettm $0x1  }
0x9: {  	s19 =	sld [smem:$0x3FFB];
	_ =	sdelay $0x3  }
0xa: {  	_ =	strace s19  }
0xb: {  	s3 =	sld [smem:$0x3FFC];
	_ =	sdelay $0x3  }
0xc: {  	_ =	strace s3  }
0xd: {  	s3 =	sld [smem:$0x3FFD];
	_ =	sdelay $0x3  }
0xe: {  	_ =	strace s3  }
0xf: {  	_ =	strace $0x8FFFFFFF  }
0x10: {  	s20 =	sld [smem:$0x3FDB];
	_ =	sdelay $0x1  }
0x11: {  	s4 =	simm.s32 $_scs_section_size  }
0x12: {  	s5 =	simm.s32 $_size__tile_overlayer_lowered;
	s6 =	simm.s32 $_tile_overlayer_lowered  }
0x13: {  	s23 =	simm.s32 $0x1BFF;
	s22 =	sshll.u32 s6, $0x1;
	s3 =	sadd.s32 s4, s20  }
0x14: {  	s7 =	simm.s32 $0x0;
	s21 =	sshll.u32 s5, $0x1;
	s5 =	sadd.s32 s22, s3  }
0x15: {  	[timem:s7], [sflag:s23] =	dma.local [hbm:s5], s21  }
0x16: {  	_ =	swait.ge [sflag:s23], s21  }
0x17: {  	s4 =	ssub.s32 $0x0, s21;
	[sflag:s23] =	ssyncset.done $0x0  }
0x18: {  	[sflag:s23] =	ssyncadd.s32 s4;
	_ =	sdelay $0x1  }
0x19: {  	s24 =	simm.s32 $0x1B8B  }
0x1a: {  	_ =	swait.ge [sflag:s24], $0x1  }
0x1b: {  	[sflag:s24] =	ssyncset.done $0x0  }
0x1c: {  	s26 =	simm.s32 $0x1B8E;
	s25 =	sld [smem:$0x3FFE];
	[sflag:s24] =	ssyncadd.s32 $0xFFFFFFFF  }
0x1d: {  	s27 =	simm.s32 $execute0_lowered;
	[smem:$0x3FD2] =	sst s26  }
0x1e: {  	s5 =	sshll.u32 s27, $0x1;
	_ =	strace $0x80000049;
	[dreg:$0x1] =	wrdreg $0xFFFFFFFF  }
0x1f: {  	s28 =	simm.s32 $_size_execute0_lowered;
	s3 =	sadd.s32 s3, s5;
	[dreg:$0x0] =	wrdreg $0x0  }
0x20: {  	s5 =	sshll.u32 s28, $0x1;
	[dreg:$0x2] =	wrdreg s3  }
0x21: {  	[dreg:$0x3] =	wrdreg s5  }
0x22: {  	[dreg:$0x4] =	wrdreg $0xC0  }
0x23: {  	_ =	task [dreg:s7], $0x5FFFF  }
0x24: {  	[dreg:$0x1] =	wrdreg $0xFFFFFFFF  }
0x25: {  	[dreg:$0x0] =	wrdreg $0x60  }
0x26: {  	[dreg:$0x2] =	wrdreg s25  }
0x27: {  	[dreg:$0x3] =	wrdreg s2  }
0x28: {  	[dreg:$0x4] =	wrdreg $0x9  }
0x29: {  	_ =	task.clear_ibuf [dreg:s7], $0x5FFFF;
	_ =	strace $0x90000049  }
0x2a: {  	s29 =	simm.s32 $0x9;
	_ =	strace $0x8000004B  }
0x2b: {  	_ =	swait.ge [sflag:s29], $0x1  }
0x2c: {  	[sflag:s29] =	ssyncadd.s32 $0xFFFFFFFF  }
0x2d: {  	_ =	strace $0x9000004B  }
0x2e: {  	_ =	sfence  }
0x2f: {  	s30 =	sld [smem:$0x0];
	_ =	sdelay $0x2  }
0x30: {  	s31 =	sshll.u32 s1, $0xD;
	s1 =	sshrl.u32 s1, $0x2  }
0x31: {  	s3 =	sand.u32 $0x4000, s31;
	s1 =	sadd.s32 s1, s30  }
0x32: {  	s0 =	sor.u32 s3, s0;
	s1 =	sshll.u32 s1, $0x11  }
0x33: {  	s0 =	sor.u32 s1, s0  }
0x34: {  	s0 =	sadd.s32 $0x8F2B, s0  }
0x35: {  	[sflag:s0] =	ssyncadd.remote.s32 $0x1  }
0x36: {  	_ =	sfence.sel $0xFFFF  }
0x37: {  	[dreg:$0x0] =	wrdreg $0xFFFFFFFF;
	(pc) =	sbr.abs _section_cstart, $3  }
0x38: {  	[dreg:$0x1] =	wrdreg $0xFFFFFFFF  }
0x39: {  	_ =	task.clear_ibuf [dreg:s7], $0x2FFFF;
	_ =	strace $0x9FFFFFFF  }
0x3a: {  	(tm) =	ssettm $0x7FFFFFFF  }
0x3b: {  	_ =	shalt  }
tec
execute0_lowered:
.L_overlay_start_1:
0x0: {  	(tag) =	ssettag $0x1  }
0x1: {  	s0 =	srdreg.scid  }
0x2: {  	s1 =	sshll.u32 s0, $0x4  }
0x3: {  	s0 =	stileid.u32;
	s1 =	sand.u32 $0x10, s1  }
0x4: {  	s1 =	sor.u32 s0, s1  }
0x5: {  	s6 =	rddreg [dreg:$0x0];
	s4 =	simm.s32 $0x1;
	s2 =	sshll.u32 s1, $0x7  }
0x6: {  	s7 =	simm.s32 $0x2;
	s12 =	simm.s32 $0x0;
	s1 =	ssub.s32 $0x1000, s2  }
0x7: {  	s8 =	simm.s32 $0x8000;
	s13 =	simm.s32 $0x0;
	s3 =	sand.u32 $0xF80, s1  }
0x8: {  	s9 =	simm.s32 $0x0;
	s5 =	sshrl.u32 s1, $0xC;
	p0 =	sne.s32 s3, $0x0  }
.Ltmp0:
0x9: {  	s1 =	rddreg [dreg:$0x2];
	s4 =	simm.s32 @!p0 $0x0;
	(pc) =	sbr.rel .LBB1_1-.Ltmp0, $4  }
0xa: {  	s11 =	simm.s32 $0x0;
	s3 =	rddreg [dreg:$0x1];
	s5 =	sadd.s32 s4, s5  }
0xb: {  	_ =	strace $0x8000004A;
	s4 =	simm.s32 $0x1;
	s5 =	smul.u32 $0xC8, s5  }
0xc: {  	s6 =	sadd.s32 $0xA00, s6;
	s10 =	smov.u32 s2;
	[sflag:s4] =	ssyncpa.u1 $0x0  }
0xd: {  	p0 =	por $0x0, $0x0;
	[sflag:s7] =	ssyncpa.u1 $0x0;
	s7 =	sor.u32 $0x1, s5  }
.LBB1_4:
0xe: {  	s16 =	sshll.u32 s13, $0x3;
	s17 =	sand.u32 $0x78, s13  }
0xf: {  	s30 =	sand.u32 $0x7E00, s13;
	s12 =	sshll.u32 s12, $0xF;
	s16 =	sand.u32 $0xC00, s16  }
0x10: {  	[tilespmem:s15+$0x810 ss:$0x81] =	vst.msk $0xffff, v2;
	s31 =	sand.u32 $0x7, s13;
	s16 =	sor.u32 s17, s16;
	s17 =	sadd.s32 s3, s30  }
0x11: {  	[tilespmem:s15+$0x1020 ss:$0x81] =	vst.msk $0xffff, v0;
	s13 =	sshll.u32 s31, $0x12;
	s12 =	sadd.s32 s12, s17;
	s16 =	sshrl.u32 s16, $0x3  }
0x12: {  	[tilespmem:s15+$0x0 ss:$0x81] =	vst.msk $0xffff, v1;
	s13 =	sor.u32 $0x400, s13;
	s12 =	sadd.s32 s16, s12  }
0x13: {  	[hbm4b:s12+s13] =	stream.strided.scatter [tilespmem:s14], [sflag:$0x2], $0x2000, s8, s13, $0x20;
	[tilespmem:$0x8080] =	vst v63  }
.LBB1_5:
0x14: {  	s14 =	sadd.s32 $0x1, s9  }
0x15: {  	s12 =	sadd.s32 $0x1000, s10;
	s16 =	smov.u32 s10;
	p2 =	sgt.s32 s14, $0xC7  }
0x16: {  	s16 =	smov.u32 @p2 s12  }
0x17: {  	s14 =	simm.s32 @p2 $0x0;
	p2 =	sgt.s32 s16, $0xFFF  }
0x18: {  	s16 =	smov.u32 @p2 s2;
	p2 =	sne.s32 s11, s7  }
.Ltmp1:
0x19: {  	p1 =	slt.u32 s11, $0x2;
	(pc) =	sbr.rel @!p2 .LBB1_6-.Ltmp1, $4  }
0x1a: {  	s15 =	simm.s32 @!p1 $0x2  }
0x1b: {  	s13 =	smov.u32 s10;
	p0 =	por !p0, !p0;
	_ =	swait.ge @!p1 [sflag:s15], $0x2000  }
0x1c: {  	s12 =	smov.u32 s9;
	[sflag:s15] =	ssyncset.done @!p1 $0x0;
	s9 =	smov.u32 s14  }
0x1d: {  	s11 =	sadd.s32 $0x1, s11;
	[sflag:s15] =	ssyncadd.s32 @!p1 $0xFFFFE000;
	s10 =	smov.u32 s16  }
.LBB1_1:
0x1e: {  	p1 =	sge.u32 s11, s5  }
0x1f: {  	s14 =	sand.u32 @!p1 $0x1FFFFFF, s9  }
0x20: {  	s15 =	smulhi.u32 @!p1 $0x147AE15, s14;
	_ =	sdelay $0x1  }
0x21: {  	s15 =	smul.u32 @!p1 $0xC8, s15  }
0x22: {  	s16 =	sxor.u32 @!p1 $0xFFFFFFFF, s11;
	s17 =	smul.u32 @!p1 $0xC80, s10  }
0x23: {  	s31 =	sadd.s32 $0xFFFFFFFF, s11;
	s16 =	sshll.u32 @!p1 s16, $0xD;
	s14 =	ssub.s32 @!p1 s14, s15  }
0x24: {  	s15 =	sand.u32 @!p1 $0x2000, s16;
	s16 =	sadd.s32 @!p1 s6, s17;
	s14 =	sshll.u32 @!p1 s14, $0x4  }
0x25: {  	s17 =	simm.s32 @!p1 $0x6400;
	s14 =	sadd.s32 @!p1 s14, s16;
	s16 =	simm.s32 @!p1 $0x40  }
0x26: {  	[tilespmem:s15], [sflag:$0x1] =	stream.strided.gather @!p1 [hbm4b:s14+s16], $0x2000, s17, s16, $0x38;
	[tilespmem:$0x8080] =	vst v63  }
0x27: {  	p1 =	sge.u32 s31, s5  }
.Ltmp2:
0x28: {  	_ = 	snop;
	(pc) =	sbr.rel @p1 .LBB1_5-.Ltmp2, $1  }
0x29: {  	_ =	sdelay $0x3  }
0x2a: {  	s14 =	simm.s32 $0x1  }
0x2b: {  	_ =	swait.ge [sflag:s4], $0x2000;
	s14 =	simm.s32 @!p0 $0x0  }
0x2c: {  	[sflag:s4] =	ssyncset.done $0x0;
	s15 =	sshll.u32 s14, $0xD  }
0x2d: {  	[sflag:s4] =	ssyncadd.s32 $0xFFFFE000;
	s18 =	sor.u32 $0x20, s15  }
0x2e: {  	s14 =	smul.u32 $0x8100, s14;
	v3 =	vld [tilespmem:s18+$0x10]  }
0x2f: {  	s30 =	sand.u32 $0x1, s11;
	v2 =	vld [tilespmem:s18+$0xFFFFFFF0]  }
0x30: {  	s15 =	smul.u32 $0x8100, s30;
	s14 =	sshrl.u32 s14, $0x2;
	v0 =	vld [tilespmem:s18+$0x0]  }
0x31: {  	v1 =	vld [tilespmem:s18+$0xFFFFFFE0];
	s16 =	sor.u32 $0x4000, s14  }
0x32: {  	s31 =	sshrl.u32 s15, $0x2;
	s15 =	sadd.s32 $0x0, s16  }
0x33: {  	s17 =	simm.s32 $0x4;
	s18 =	sadd.s32 $0x40, s18;
	s14 =	sor.u32 $0x4000, s31;
	[tilespmem:s15+$0x1830 ss:$0x81] =	vst.msk $0xffff, v3  }
.LBB1_3:
0x34: {  	v3 =	vld [tilespmem:s18+$0x10];
	p1 =	sne.s32 s17, $0x1FC;
	[tilespmem:s15+$0x810 ss:$0x81] =	vst.msk $0xffff, v2;
	s19 =	smov.u32 s17;
	s17 =	sadd.s32 $0x4, s17  }
.Ltmp3:
0x35: {  	v2 =	vld [tilespmem:s18+$0xFFFFFFF0];
	[tilespmem:s15+$0x1020 ss:$0x81] =	vst.msk $0xffff, v0;
	(pc) =	sbr.rel @p1 .LBB1_3-.Ltmp3, $4  }
0x36: {  	v0 =	vld [tilespmem:s18+$0x0];
	[tilespmem:s15+$0x0 ss:$0x81] =	vst.msk $0xffff, v1  }
0x37: {  	s15 =	sshra.s32 s19, $0x2;
	v1 =	vld [tilespmem:s18+$0xFFFFFFE0]  }
0x38: {  	s15 =	sadd.s32 s15, s16  }
0x39: {  	s18 =	sadd.s32 $0x40, s18;
	[tilespmem:s15+$0x1830 ss:$0x81] =	vst.msk $0xffff, v3  }
.Ltmp4:
0x3a: {  	_ = 	snop;
	(pc) =	sbr.rel .LBB1_4-.Ltmp4, $1  }
0x3b: {  	_ =	sdelay $0x3  }
.LBB1_6:
0x3c: {  	_ =	sfence.sel $0x180000  }
0x3d: {  	s2 =	simm.s32 $0x1;
	[bflag:$0x0] =	sbarrier.arrive $0xFFFF  }
0x3e: {  	s31 =	simm.s32 $0x2;
	[sflag:s2] =	ssyncpa.u1 $0x1  }
0x3f: {  	[sflag:s31] =	ssyncpa.u1 $0x1  }
0x40: {  	p0 =	sne.s32 s0, $0x0;
	_ =	strace $0x9000004A  }
0x41: {  	s0 =	sadd.s32 @!p0 $0x100000, s1;
	[bflag:$0x2] =	sbarrier.arrive $0xFFFF  }
0x42: {  	[sflag:s0] =	ssyncadd.tile.s32 @!p0 $0x1;
	_ =	shalt  }
.Lfunc_end1:
_tile_overlayer_lowered:
.L_overlay_start_2:
0x43: {  	(tag) =	ssettag $0x2  }
0x44: {  	s0 =	rddreg [dreg:$0x0];
	s2 =	stileid.u32  }
0x45: {  	s1 =	rddreg [dreg:$0x1];
	p0 =	sne.s32 s2, $0x0  }
0x46: {  	s3 =	rddreg [dreg:$0x2];
	[bflag:$0x3] =	sbarrier.arrive $0xFFFF;
	s2 =	simm.s32 @!p0 $0x1C01  }
0x47: {  	[timem:s3], [sflag:s2] =	dma.local @!p0 [hbm:s0], s1  }
0x48: {  	s0 =	simm.s32 @!p0 $0x1  }
0x49: {  	_ =	swait.ge @!p0 [sflag:s0], s1  }
0x4a: {  	s1 =	ssub.s32 @!p0 $0x0, s1;
	[sflag:s0] =	ssyncset.done @!p0 $0x0  }
0x4b: {  	[sflag:s0] =	ssyncadd.s32 @!p0 s1  }
0x4c: {  	[bflag:$0x3] =	sbarrier.arrive $0xFFFF  }
0x4d: {  	_ =	shalt  }

</sc_bundles>
